<compile_context>
chip_gen: v7x
topology: tpu7x:2x2x1
jax: 0.10.2.dev20260603
libtpu: 0.0.44.dev20260713+nightly
codegen_flags: <defaults>
</compile_context>

<pallas_src>
import functools

import jax
import jax.numpy as jnp
from jax import lax
from jax.experimental import pallas as pl
from jax.experimental.pallas import tpu as pltpu
from jax.experimental.pallas import tpu_sc as plsc

N = 1024
NBINS = 65
IB = 2
JB = 128
GROUPS = JB // 16
NWORKERS = 32
ROWS_PER_W = N // NWORKERS
RMAX = 32.0


def _sc_body(res_hbm, chain_hbm, zero_hbm, out_hbm,
             res_v, chain_v,
             buf0, buf1, bin0, bin1, sem0, sem1):
    c = lax.axis_index("c")
    s = lax.axis_index("s")
    wid = s * 2 + c

    cp_res = pltpu.make_async_copy(res_hbm, res_v, sem0)
    cp_chain = pltpu.make_async_copy(chain_hbm, chain_v, sem1)
    cp_z0 = pltpu.make_async_copy(zero_hbm, buf0, sem0)
    cp_z1 = pltpu.make_async_copy(zero_hbm, buf1, sem1)
    cp_res.start()
    cp_chain.start()
    cp_z0.start()
    cp_z1.start()
    cp_res.wait()
    cp_chain.wait()
    cp_z0.wait()
    cp_z1.wait()

    iota = lax.iota(jnp.int32, 16)
    ones16 = jnp.full((16,), 1.0, jnp.float32)
    zeros16 = jnp.zeros((16,), jnp.float32)
    zero_i16 = jnp.zeros((16,), jnp.int32)

    def splat_at(grp_vec, lane):
        mask = iota == jnp.full((16,), lane, jnp.int32)
        return jnp.sum(jnp.where(mask, grp_vec, jnp.zeros_like(grp_vec)))

    def fill(buf, binb, i0, j0):
        def ibody(il, _):
            i_g = i0 + il
            grp = (i_g // 16) * 16
            lane = i_g % 16
            ri = splat_at(res_v[pl.ds(grp, 16)], lane)
            ci = splat_at(chain_v[pl.ds(grp, 16)], lane)
            riv = jnp.full((16,), 0.0, jnp.float32) + ri
            civ = zero_i16 + ci
            ivec = zero_i16 + il

            def gbody(g, _):
                jl = g * 16
                rj = res_v[pl.ds(j0 + jl, 16)]
                cj = chain_v[pl.ds(j0 + jl, 16)]
                same = cj == civ
                dd = jnp.minimum(jnp.maximum(riv - rj + RMAX, 0.0), 2.0 * RMAX)
                d = jnp.where(same, dd,
                              jnp.full((16,), 2.0 * RMAX + 1.0, jnp.float32))
                b = jnp.maximum(d - 1.0, 0.0).astype(jnp.int32)
                plsc.store_scatter(buf, [b, ivec, jl + iota], ones16)
                binb[pl.ds(il * JB + jl, 16)] = b
                return 0

            lax.fori_loop(0, GROUPS, gbody, 0)
            return 0

        lax.fori_loop(0, IB, ibody, 0)

    def clear(buf, binb):
        def ibody(il, _):
            ivec = zero_i16 + il

            def gbody(g, _):
                jl = g * 16
                b = binb[pl.ds(il * JB + jl, 16)]
                plsc.store_scatter(buf, [b, ivec, jl + iota], zeros16)
                return 0

            lax.fori_loop(0, GROUPS, gbody, 0)
            return 0

        lax.fori_loop(0, IB, ibody, 0)

    row0 = wid * ROWS_PER_W
    bufs = ((buf0, bin0, sem0), (buf1, bin1, sem1))
    nblocks = (ROWS_PER_W // IB) * (N // JB)

    def bbody(t, _):
        ib = t // (N // JB)
        jb = t - ib * (N // JB)
        i0 = row0 + ib * IB
        j0 = jb * JB
        for h in range(2):
            buf, binb, sem = bufs[h]
            dst = out_hbm.at[:, pl.ds(i0, IB), pl.ds(j0, JB)]

            @pl.when((t % 2 == h) & (t >= 2))
            def _():
                pltpu.make_async_copy(buf, dst, sem).wait()
                clear(buf, binb)

            @pl.when(t % 2 == h)
            def _():
                fill(buf, binb, i0, j0)
                pltpu.make_async_copy(buf, dst, sem).start()
        return 0

    lax.fori_loop(0, nblocks, bbody, 0)

    dst0 = out_hbm.at[:, pl.ds(row0, IB), pl.ds(0, JB)]
    pltpu.make_async_copy(buf0, dst0, sem0).wait()
    pltpu.make_async_copy(buf1, dst0, sem1).wait()


@functools.partial(
    pl.kernel,
    mesh=plsc.VectorSubcoreMesh(core_axis_name="c", subcore_axis_name="s"),
    out_type=jax.ShapeDtypeStruct((NBINS, N, N), jnp.float32),
    compiler_params=pltpu.CompilerParams(needs_layout_passes=False),
    scratch_types=[
        pltpu.VMEM((N,), jnp.float32),
        pltpu.VMEM((N,), jnp.int32),
        pltpu.VMEM((NBINS, IB, JB), jnp.float32),
        pltpu.VMEM((NBINS, IB, JB), jnp.float32),
        pltpu.VMEM((IB * JB,), jnp.int32),
        pltpu.VMEM((IB * JB,), jnp.int32),
        pltpu.SemaphoreType.DMA,
        pltpu.SemaphoreType.DMA,
    ],
)
def _sc_call(res_hbm, chain_hbm, zero_hbm, out_hbm,
             res_v, chain_v,
             buf0, buf1, bin0, bin1, sem0, sem1):
    _sc_body(res_hbm, chain_hbm, zero_hbm, out_hbm,
             res_v, chain_v,
             buf0, buf1, bin0, bin1, sem0, sem1)


def kernel(res_index, chain_id, v_bins):
    del v_bins
    res = res_index.reshape(-1).astype(jnp.float32)
    chain = chain_id.reshape(-1).astype(jnp.int32)
    zero = jnp.zeros((NBINS, IB, JB), jnp.float32)
    out_kij = _sc_call(res, chain, zero)
    return jnp.transpose(out_kij, (1, 2, 0)).reshape(1, N, N, NBINS)

# --- scband reference (transcript-rebuilt; emitter-appended) ---
"""Pipeline reference for scband-relative-position-encoding-62723702390898 (READ-ONLY COPY).

The authoritative reference and input builder live on the scoring server;
editing this copy changes nothing except your own understanding.
"""

import jax, jax.numpy as jnp
import numpy as np

RMAX = 32


def setup_inputs(seed: int = 0) -> dict:
    key = jax.random.key(seed)
    k1, k2 = jax.random.split(key)
    B, N = 1, 1024
    res_index = jnp.arange(B * N, dtype=jnp.float32).reshape(B, N)
    chain_id = jnp.sort(jax.random.randint(k2, (B, N), 0, 4), axis=-1).astype(jnp.int64)
    # buffer: v_bins = linspace(0, 2*rmax+1, 2*rmax+2)
    v_bins = jnp.linspace(0.0, 2 * RMAX + 1, 2 * RMAX + 2).astype(jnp.float32)
    return {"res_index": res_index, "chain_id": chain_id, "v_bins": v_bins}


def _binned_one_hot(data, v_bins):
    # torch.bucketize(data, v_bins) with right=False == searchsorted side='left'
    bin_indices = jnp.searchsorted(v_bins, data, side='left') - 1
    bin_indices = jnp.clip(bin_indices, 0, v_bins.shape[0] - 2)
    p = jax.nn.one_hot(bin_indices, v_bins.shape[0] - 1, dtype=data.dtype)
    return p


def reference(res_index, chain_id, v_bins):
    rmax = RMAX
    b_same_chain_ij = chain_id[..., :, None] == chain_id[..., None, :]
    d_res_ij = jnp.where(
        b_same_chain_ij,
        jnp.clip(res_index[..., :, None] - res_index[..., None, :] + rmax, 0, 2 * rmax),
        jnp.asarray(2 * rmax + 1, dtype=res_index.dtype),
    )
    a_rel_pol_ij = _binned_one_hot(d_res_ij, v_bins)
    return a_rel_pol_ij

if __name__ == "__main__":
    import jax
    _d = setup_inputs()
    print(jax.jit(kernel)(*tuple(_d.values())))

</pallas_src>

<mosaic_0001>
#map = affine_map<(d0, d1) -> (0)>
#map1 = affine_map<(d0, d1) -> (0, 0, 0)>
module attributes {stable_mosaic.version = 14 : i64} {
  func.func @_sc_call(%arg0: i32, %arg1: i32, %arg2: memref<1024xf32, #tpu.memory_space<hbm>>, %arg3: memref<1024xi32, #tpu.memory_space<hbm>>, %arg4: memref<65x2x128xf32, #tpu.memory_space<hbm>>, %arg5: memref<65x1024x1024xf32, #tpu.memory_space<hbm>>, %arg6: memref<1024xf32, #tpu.memory_space<vmem>>, %arg7: memref<1024xi32, #tpu.memory_space<vmem>>, %arg8: memref<65x2x128xf32, #tpu.memory_space<vmem>>, %arg9: memref<65x2x128xf32, #tpu.memory_space<vmem>>, %arg10: memref<256xi32, #tpu.memory_space<vmem>>, %arg11: memref<256xi32, #tpu.memory_space<vmem>>, %arg12: memref<!tpu.dma_semaphore, #tpu.memory_space<semaphore_mem>>, %arg13: memref<!tpu.dma_semaphore, #tpu.memory_space<semaphore_mem>>) attributes {dimension_semantics = [#tpu.dimension_semantics<core_parallel>, #tpu.dimension_semantics<subcore_parallel>], iteration_bounds = array<i64: 2, 16>, scalar_prefetch = 0 : i64, scratch_operands = 8 : i64, tpu.core_type = #tpu.core_type<sc_vector_subcore>, window_params = [{transform_indices = #map}, {transform_indices = #map}, {transform_indices = #map1}, {transform_indices = #map1}]} {
    %mul3A = arith.constant 2 : i32
    %mul3A_0 = arith.muli %arg1, %mul3A : i32
    %add3A = arith.addi %mul3A_0, %arg0 : i32
    tpu.enqueue_dma source(%arg2 : memref<1024xf32, #tpu.memory_space<hbm>>) target(%arg6 : memref<1024xf32, #tpu.memory_space<vmem>>) target_semaphore(%arg12 : memref<!tpu.dma_semaphore, #tpu.memory_space<semaphore_mem>>)
    tpu.enqueue_dma source(%arg3 : memref<1024xi32, #tpu.memory_space<hbm>>) target(%arg7 : memref<1024xi32, #tpu.memory_space<vmem>>) target_semaphore(%arg13 : memref<!tpu.dma_semaphore, #tpu.memory_space<semaphore_mem>>)
    tpu.enqueue_dma source(%arg4 : memref<65x2x128xf32, #tpu.memory_space<hbm>>) target(%arg8 : memref<65x2x128xf32, #tpu.memory_space<vmem>>) target_semaphore(%arg12 : memref<!tpu.dma_semaphore, #tpu.memory_space<semaphore_mem>>)
    tpu.enqueue_dma source(%arg4 : memref<65x2x128xf32, #tpu.memory_space<hbm>>) target(%arg9 : memref<65x2x128xf32, #tpu.memory_space<vmem>>) target_semaphore(%arg13 : memref<!tpu.dma_semaphore, #tpu.memory_space<semaphore_mem>>)
    tpu.wait_dma2 semaphore(%arg12 : memref<!tpu.dma_semaphore, #tpu.memory_space<semaphore_mem>>) src(%arg2 : memref<1024xf32, #tpu.memory_space<hbm>>) dst(%arg6 : memref<1024xf32, #tpu.memory_space<vmem>>)
    tpu.wait_dma2 semaphore(%arg13 : memref<!tpu.dma_semaphore, #tpu.memory_space<semaphore_mem>>) src(%arg3 : memref<1024xi32, #tpu.memory_space<hbm>>) dst(%arg7 : memref<1024xi32, #tpu.memory_space<vmem>>)
    tpu.wait_dma2 semaphore(%arg12 : memref<!tpu.dma_semaphore, #tpu.memory_space<semaphore_mem>>) src(%arg4 : memref<65x2x128xf32, #tpu.memory_space<hbm>>) dst(%arg8 : memref<65x2x128xf32, #tpu.memory_space<vmem>>)
    tpu.wait_dma2 semaphore(%arg13 : memref<!tpu.dma_semaphore, #tpu.memory_space<semaphore_mem>>) src(%arg4 : memref<65x2x128xf32, #tpu.memory_space<hbm>>) dst(%arg9 : memref<65x2x128xf32, #tpu.memory_space<vmem>>)
    %iota3A = tpu.iota {dimensions = array<i32: 0>} : vector<16xi32>
    %broadcast_in_dim3A = arith.constant 1.000000e+00 : f32
    %broadcast_in_dim3A_1 = vector.broadcast %broadcast_in_dim3A : f32 to vector<16xf32>
    %broadcast_in_dim3A_2 = arith.constant 0.000000e+00 : f32
    %broadcast_in_dim3A_3 = vector.broadcast %broadcast_in_dim3A_2 : f32 to vector<16xf32>
    %broadcast_in_dim3A_4 = arith.constant 0 : i32
    %broadcast_in_dim3A_5 = vector.broadcast %broadcast_in_dim3A_4 : i32 to vector<16xi32>
    %mul3A_6 = arith.constant 32 : i32
    %mul3A_7 = arith.muli %add3A, %mul3A_6 : i32
    %scan3A = arith.constant 0 : i32
    %scan3A_8 = arith.constant 0 : i32
    %scan3A_9 = arith.constant 128 : i32
    %scan3A_10 = arith.addi %scan3A_8, %scan3A_9 : i32
    %scan3A_11 = arith.constant 1 : i32
    %scan3A_12 = scf.for %scan3A_25 = %scan3A_8 to %scan3A_10 step %scan3A_11 iter_args(%scan3A_26 = %scan3A) -> (i32)  : i32 {
      %jit3A = arith.constant 8 : i32
      %div3A = arith.divsi %scan3A_25, %jit3A : i32
      %sign3A = arith.constant 0 : i32
      %sign3A_27 = arith.cmpi sgt, %scan3A_25, %sign3A : i32
      %sign3A_28 = arith.extui %sign3A_27 : i1 to i32
      %sign3A_29 = arith.constant 0 : i32
      %sign3A_30 = arith.cmpi slt, %scan3A_25, %sign3A_29 : i32
      %sign3A_31 = arith.extui %sign3A_30 : i1 to i32
      %sign3A_32 = arith.subi %sign3A_28, %sign3A_31 : i32
      %sign3A_33 = arith.constant 0 : i32
      %sign3A_34 = arith.cmpi sgt, %jit3A, %sign3A_33 : i32
      %sign3A_35 = arith.extui %sign3A_34 : i1 to i32
      %sign3A_36 = arith.constant 0 : i32
      %sign3A_37 = arith.cmpi slt, %jit3A, %sign3A_36 : i32
      %sign3A_38 = arith.extui %sign3A_37 : i1 to i32
      %sign3A_39 = arith.subi %sign3A_35, %sign3A_38 : i32
      %ne3A = arith.cmpi ne, %sign3A_32, %sign3A_39 : i32
      %rem3A = arith.remsi %scan3A_25, %jit3A : i32
      %ne3A_40 = arith.constant 0 : i32
      %ne3A_41 = arith.cmpi ne, %rem3A, %ne3A_40 : i32
      %and3A = arith.andi %ne3A, %ne3A_41 : i1
      %sub3A = arith.constant 1 : i32
      %sub3A_42 = arith.subi %div3A, %sub3A : i32
      %select_n3A = arith.select %and3A, %sub3A_42, %div3A : i32
      %mul3A_43 = arith.constant 8 : i32
      %mul3A_44 = arith.muli %select_n3A, %mul3A_43 : i32
      %sub3A_45 = arith.subi %scan3A_25, %mul3A_44 : i32
      %mul3A_46 = arith.constant 2 : i32
      %mul3A_47 = arith.muli %select_n3A, %mul3A_46 : i32
      %add3A_48 = arith.addi %mul3A_7, %mul3A_47 : i32
      %mul3A_49 = arith.constant 128 : i32
      %mul3A_50 = arith.muli %sub3A_45, %mul3A_49 : i32
      %jit3A_51 = arith.constant 2 : i32
      %eq3A = arith.constant 0 : i32
      %eq3A_52 = arith.cmpi eq, %jit3A_51, %eq3A : i32
      %jit3A_53 = arith.constant 1 : i32
      %select_n3A_54 = arith.select %eq3A_52, %jit3A_53, %jit3A_51 : i32
      %rem3A_55 = arith.remsi %scan3A_25, %select_n3A_54 : i32
      %ne3A_56 = arith.constant 0 : i32
      %ne3A_57 = arith.cmpi ne, %rem3A_55, %ne3A_56 : i32
      %lt3A = arith.constant 0 : i32
      %lt3A_58 = arith.cmpi slt, %rem3A_55, %lt3A : i32
      %lt3A_59 = arith.constant 0 : i32
      %lt3A_60 = arith.cmpi slt, %select_n3A_54, %lt3A_59 : i32
      %ne3A_61 = arith.xori %lt3A_58, %lt3A_60 : i1
      %and3A_62 = arith.andi %ne3A_61, %ne3A_57 : i1
      %add3A_63 = arith.addi %rem3A_55, %select_n3A_54 : i32
      %select_n3A_64 = arith.select %and3A_62, %add3A_63, %rem3A_55 : i32
      %eq3A_65 = arith.constant 0 : i32
      %eq3A_66 = arith.cmpi eq, %select_n3A_64, %eq3A_65 : i32
      %ge3A = arith.constant 2 : i32
      %ge3A_67 = arith.cmpi sge, %scan3A_25, %ge3A : i32
      %and3A_68 = arith.andi %eq3A_66, %ge3A_67 : i1
      %convert_element_type3A = arith.extui %and3A_68 : i1 to i32
      %cond3A = arith.constant 0 : i32
      %cond3A_69 = arith.cmpi ne, %convert_element_type3A, %cond3A : i32
      scf.if %cond3A_69 {
        %dma_wait3A_137 = arith.constant 0 : i32
        %dma_wait3A_138 = tpu.memref_slice %arg5[%dma_wait3A_137, %add3A_48, %mul3A_50] : memref<65x1024x1024xf32, #tpu.memory_space<hbm>> -> memref<65x2x128xf32, #tpu.memory_space<hbm>>
        %dma_wait3A_139 = arith.constant 0 : i32
        %dma_wait3A_140 = tpu.memref_slice %arg5[%dma_wait3A_139, %add3A_48, %mul3A_50] : memref<65x1024x1024xf32, #tpu.memory_space<hbm>> -> memref<65x2x128xf32, #tpu.memory_space<hbm>>
        tpu.wait_dma2 semaphore(%arg12 : memref<!tpu.dma_semaphore, #tpu.memory_space<semaphore_mem>>) src(%arg8 : memref<65x2x128xf32, #tpu.memory_space<vmem>>) dst(%dma_wait3A_140 : memref<65x2x128xf32, #tpu.memory_space<hbm>>)
        %scan3A_141 = arith.constant 0 : i32
        %scan3A_142 = arith.constant 0 : i32
        %scan3A_143 = arith.constant 2 : i32
        %scan3A_144 = arith.addi %scan3A_142, %scan3A_143 : i32
        %scan3A_145 = arith.constant 1 : i32
        %scan3A_146 = scf.for %scan3A_148 = %scan3A_142 to %scan3A_144 step %scan3A_145 iter_args(%scan3A_149 = %scan3A_141) -> (i32)  : i32 {
          %add3A_150 = vector.broadcast %scan3A_148 : i32 to vector<16xi32>
          %add3A_151 = arith.addi %broadcast_in_dim3A_5, %add3A_150 : vector<16xi32>
          %scan3A_152 = arith.constant 0 : i32
          %scan3A_153 = arith.constant 0 : i32
          %scan3A_154 = arith.constant 8 : i32
          %scan3A_155 = arith.addi %scan3A_153, %scan3A_154 : i32
          %scan3A_156 = arith.constant 1 : i32
          %scan3A_157 = scf.for %scan3A_160 = %scan3A_153 to %scan3A_155 step %scan3A_156 iter_args(%scan3A_161 = %scan3A_152) -> (i32)  : i32 {
            %mul3A_162 = arith.constant 16 : i32
            %mul3A_163 = arith.muli %scan3A_160, %mul3A_162 : i32
            %mul3A_164 = arith.constant 128 : i32
            %mul3A_165 = arith.muli %scan3A_148, %mul3A_164 : i32
            %add3A_166 = arith.addi %mul3A_165, %mul3A_163 : i32
            %get3A = arith.index_cast %add3A_166 : i32 to index
            %get3A_167 = tpu.vector_load %arg10[%get3A] {strides = array<i32>} : memref<256xi32, #tpu.memory_space<vmem>>, vector<16xi32>,
            %add3A_168 = vector.broadcast %mul3A_163 : i32 to vector<16xi32>
            %add3A_169 = arith.addi %add3A_168, %iota3A : vector<16xi32>
            tpu.vector_store_idx %arg8[%get3A_167, %add3A_151, %add3A_169], %broadcast_in_dim3A_3 : memref<65x2x128xf32, #tpu.memory_space<vmem>>[vector<16xi32>, vector<16xi32>, vector<16xi32>], vector<16xf32>,
            %scan3A_170 = arith.constant 0 : i32
            scf.yield %scan3A_170 : i32
          }
          %scan3A_158 = arith.constant 8 : i32
          %scan3A_159 = arith.constant 0 : i32
          scf.yield %scan3A_159 : i32
        }
        %scan3A_147 = arith.constant 2 : i32
      } else {
      }
      %jit3A_70 = arith.constant 2 : i32
      %eq3A_71 = arith.constant 0 : i32
      %eq3A_72 = arith.cmpi eq, %jit3A_70, %eq3A_71 : i32
      %jit3A_73 = arith.constant 1 : i32
      %select_n3A_74 = arith.select %eq3A_72, %jit3A_73, %jit3A_70 : i32
      %rem3A_75 = arith.remsi %scan3A_25, %select_n3A_74 : i32
      %ne3A_76 = arith.constant 0 : i32
      %ne3A_77 = arith.cmpi ne, %rem3A_75, %ne3A_76 : i32
      %lt3A_78 = arith.constant 0 : i32
      %lt3A_79 = arith.cmpi slt, %rem3A_75, %lt3A_78 : i32
      %lt3A_80 = arith.constant 0 : i32
      %lt3A_81 = arith.cmpi slt, %select_n3A_74, %lt3A_80 : i32
      %ne3A_82 = arith.xori %lt3A_79, %lt3A_81 : i1
      %and3A_83 = arith.andi %ne3A_82, %ne3A_77 : i1
      %add3A_84 = arith.addi %rem3A_75, %select_n3A_74 : i32
      %select_n3A_85 = arith.select %and3A_83, %add3A_84, %rem3A_75 : i32
      %eq3A_86 = arith.constant 0 : i32
      %eq3A_87 = arith.cmpi eq, %select_n3A_85, %eq3A_86 : i32
      %convert_element_type3A_88 = arith.extui %eq3A_87 : i1 to i32
      %cond3A_89 = arith.constant 0 : i32
      %cond3A_90 = arith.cmpi ne, %convert_element_type3A_88, %cond3A_89 : i32
      scf.if %cond3A_90 {
        %scan3A_137 = arith.constant 0 : i32
        %scan3A_138 = arith.constant 0 : i32
        %scan3A_139 = arith.constant 2 : i32
        %scan3A_140 = arith.addi %scan3A_138, %scan3A_139 : i32
        %scan3A_141 = arith.constant 1 : i32
        %scan3A_142 = scf.for %scan3A_147 = %scan3A_138 to %scan3A_140 step %scan3A_141 iter_args(%scan3A_148 = %scan3A_137) -> (i32)  : i32 {
          %add3A_149 = arith.addi %add3A_48, %scan3A_147 : i32
          %jit3A_150 = arith.constant 16 : i32
          %div3A_151 = arith.divsi %add3A_149, %jit3A_150 : i32
          %sign3A_152 = arith.constant 0 : i32
          %sign3A_153 = arith.cmpi sgt, %add3A_149, %sign3A_152 : i32
          %sign3A_154 = arith.extui %sign3A_153 : i1 to i32
          %sign3A_155 = arith.constant 0 : i32
          %sign3A_156 = arith.cmpi slt, %add3A_149, %sign3A_155 : i32
          %sign3A_157 = arith.extui %sign3A_156 : i1 to i32
          %sign3A_158 = arith.subi %sign3A_154, %sign3A_157 : i32
          %sign3A_159 = arith.constant 0 : i32
          %sign3A_160 = arith.cmpi sgt, %jit3A_150, %sign3A_159 : i32
          %sign3A_161 = arith.extui %sign3A_160 : i1 to i32
          %sign3A_162 = arith.constant 0 : i32
          %sign3A_163 = arith.cmpi slt, %jit3A_150, %sign3A_162 : i32
          %sign3A_164 = arith.extui %sign3A_163 : i1 to i32
          %sign3A_165 = arith.subi %sign3A_161, %sign3A_164 : i32
          %ne3A_166 = arith.cmpi ne, %sign3A_158, %sign3A_165 : i32
          %rem3A_167 = arith.remsi %add3A_149, %jit3A_150 : i32
          %ne3A_168 = arith.constant 0 : i32
          %ne3A_169 = arith.cmpi ne, %rem3A_167, %ne3A_168 : i32
          %and3A_170 = arith.andi %ne3A_166, %ne3A_169 : i1
          %sub3A_171 = arith.constant 1 : i32
          %sub3A_172 = arith.subi %div3A_151, %sub3A_171 : i32
          %select_n3A_173 = arith.select %and3A_170, %sub3A_172, %div3A_151 : i32
          %mul3A_174 = arith.constant 16 : i32
          %mul3A_175 = arith.muli %select_n3A_173, %mul3A_174 : i32
          %jit3A_176 = arith.constant 16 : i32
          %eq3A_177 = arith.constant 0 : i32
          %eq3A_178 = arith.cmpi eq, %jit3A_176, %eq3A_177 : i32
          %jit3A_179 = arith.constant 1 : i32
          %select_n3A_180 = arith.select %eq3A_178, %jit3A_179, %jit3A_176 : i32
          %rem3A_181 = arith.remsi %add3A_149, %select_n3A_180 : i32
          %ne3A_182 = arith.constant 0 : i32
          %ne3A_183 = arith.cmpi ne, %rem3A_181, %ne3A_182 : i32
          %lt3A_184 = arith.constant 0 : i32
          %lt3A_185 = arith.cmpi slt, %rem3A_181, %lt3A_184 : i32
          %lt3A_186 = arith.constant 0 : i32
          %lt3A_187 = arith.cmpi slt, %select_n3A_180, %lt3A_186 : i32
          %ne3A_188 = arith.xori %lt3A_185, %lt3A_187 : i1
          %and3A_189 = arith.andi %ne3A_188, %ne3A_183 : i1
          %add3A_190 = arith.addi %rem3A_181, %select_n3A_180 : i32
          %select_n3A_191 = arith.select %and3A_189, %add3A_190, %rem3A_181 : i32
          %get3A = arith.index_cast %mul3A_175 : i32 to index
          %get3A_192 = tpu.vector_load %arg6[%get3A] {strides = array<i32>} : memref<1024xf32, #tpu.memory_space<vmem>>, vector<16xf32>,
          %broadcast_in_dim3A_193 = vector.broadcast %select_n3A_191 : i32 to vector<16xi32>
          %eq3A_194 = arith.cmpi eq, %iota3A, %broadcast_in_dim3A_193 : vector<16xi32>
          %broadcast_in_dim3A_195 = arith.constant 0.000000e+00 : f32
          %broadcast_in_dim3A_196 = vector.broadcast %broadcast_in_dim3A_195 : f32 to vector<16xf32>
          %select_n3A_197 = arith.select %eq3A_194, %get3A_192, %broadcast_in_dim3A_196 : vector<16xi1>, vector<16xf32>
          %reduce_sum3A = arith.constant true
          %reduce_sum3A_198 = vector.broadcast %reduce_sum3A : i1 to vector<16xi1>
          %reduce_sum3A_199 = tpu.scan <sum>, %select_n3A_197 masked %reduce_sum3A_198 : vector<16xf32>, vector<16xi1> -> vector<16xf32>
          %reduce_sum3A_200 = vector.extract %reduce_sum3A_199[15] : f32 from vector<16xf32>
          %get3A_201 = arith.index_cast %mul3A_175 : i32 to index
          %get3A_202 = tpu.vector_load %arg7[%get3A_201] {strides = array<i32>} : memref<1024xi32, #tpu.memory_space<vmem>>, vector<16xi32>,
          %broadcast_in_dim3A_203 = vector.broadcast %select_n3A_191 : i32 to vector<16xi32>
          %eq3A_204 = arith.cmpi eq, %iota3A, %broadcast_in_dim3A_203 : vector<16xi32>
          %broadcast_in_dim3A_205 = arith.constant 0 : i32
          %broadcast_in_dim3A_206 = vector.broadcast %broadcast_in_dim3A_205 : i32 to vector<16xi32>
          %select_n3A_207 = arith.select %eq3A_204, %get3A_202, %broadcast_in_dim3A_206 : vector<16xi1>, vector<16xi32>
          %reduce_sum3A_208 = arith.constant true
          %reduce_sum3A_209 = vector.broadcast %reduce_sum3A_208 : i1 to vector<16xi1>
          %reduce_sum3A_210 = tpu.scan <sum>, %select_n3A_207 masked %reduce_sum3A_209 : vector<16xi32>, vector<16xi1> -> vector<16xi32>
          %reduce_sum3A_211 = vector.extract %reduce_sum3A_210[15] : i32 from vector<16xi32>
          %broadcast_in_dim3A_212 = arith.constant 0.000000e+00 : f32
          %broadcast_in_dim3A_213 = vector.broadcast %broadcast_in_dim3A_212 : f32 to vector<16xf32>
          %add3A_214 = vector.broadcast %reduce_sum3A_200 : f32 to vector<16xf32>
          %add3A_215 = arith.addf %broadcast_in_dim3A_213, %add3A_214 : vector<16xf32>
          %add3A_216 = vector.broadcast %reduce_sum3A_211 : i32 to vector<16xi32>
          %add3A_217 = arith.addi %broadcast_in_dim3A_5, %add3A_216 : vector<16xi32>
          %add3A_218 = vector.broadcast %scan3A_147 : i32 to vector<16xi32>
          %add3A_219 = arith.addi %broadcast_in_dim3A_5, %add3A_218 : vector<16xi32>
          %scan3A_220 = arith.constant 0 : i32
          %scan3A_221 = arith.constant 0 : i32
          %scan3A_222 = arith.constant 8 : i32
          %scan3A_223 = arith.addi %scan3A_221, %scan3A_222 : i32
          %scan3A_224 = arith.constant 1 : i32
          %scan3A_225 = scf.for %scan3A_228 = %scan3A_221 to %scan3A_223 step %scan3A_224 iter_args(%scan3A_229 = %scan3A_220) -> (i32)  : i32 {
            %mul3A_230 = arith.constant 16 : i32
            %mul3A_231 = arith.muli %scan3A_228, %mul3A_230 : i32
            %add3A_232 = arith.addi %mul3A_50, %mul3A_231 : i32
            %get3A_233 = arith.index_cast %add3A_232 : i32 to index
            %get3A_234 = tpu.vector_load %arg6[%get3A_233] {strides = array<i32>} : memref<1024xf32, #tpu.memory_space<vmem>>, vector<16xf32>,
            %add3A_235 = arith.addi %mul3A_50, %mul3A_231 : i32
            %get3A_236 = arith.index_cast %add3A_235 : i32 to index
            %get3A_237 = tpu.vector_load %arg7[%get3A_236] {strides = array<i32>} : memref<1024xi32, #tpu.memory_space<vmem>>, vector<16xi32>,
            %eq3A_238 = arith.cmpi eq, %get3A_237, %add3A_217 : vector<16xi32>
            %sub3A_239 = arith.subf %add3A_215, %get3A_234 : vector<16xf32>
            %add3A_240 = arith.constant 3.200000e+01 : f32
            %add3A_241 = vector.broadcast %add3A_240 : f32 to vector<16xf32>
            %add3A_242 = arith.addf %sub3A_239, %add3A_241 : vector<16xf32>
            %max3A = arith.constant 0.000000e+00 : f32
            %max3A_243 = vector.broadcast %max3A : f32 to vector<16xf32>
            %max3A_244 = arith.maximumf %add3A_242, %max3A_243 : vector<16xf32>
            %min3A = arith.constant 6.400000e+01 : f32
            %min3A_245 = vector.broadcast %min3A : f32 to vector<16xf32>
            %min3A_246 = arith.minimumf %max3A_244, %min3A_245 : vector<16xf32>
            %broadcast_in_dim3A_247 = arith.constant 6.500000e+01 : f32
            %broadcast_in_dim3A_248 = vector.broadcast %broadcast_in_dim3A_247 : f32 to vector<16xf32>
            %select_n3A_249 = arith.select %eq3A_238, %min3A_246, %broadcast_in_dim3A_248 : vector<16xi1>, vector<16xf32>
            %sub3A_250 = arith.constant 1.000000e+00 : f32
            %sub3A_251 = vector.broadcast %sub3A_250 : f32 to vector<16xf32>
            %sub3A_252 = arith.subf %select_n3A_249, %sub3A_251 : vector<16xf32>
            %max3A_253 = arith.constant 0.000000e+00 : f32
            %max3A_254 = vector.broadcast %max3A_253 : f32 to vector<16xf32>
            %max3A_255 = arith.maximumf %sub3A_252, %max3A_254 : vector<16xf32>
            %convert_element_type3A_256 = arith.fptosi %max3A_255 : vector<16xf32> to vector<16xi32>
            %add3A_257 = vector.broadcast %mul3A_231 : i32 to vector<16xi32>
            %add3A_258 = arith.addi %add3A_257, %iota3A : vector<16xi32>
            tpu.vector_store_idx %arg8[%convert_element_type3A_256, %add3A_219, %add3A_258], %broadcast_in_dim3A_1 : memref<65x2x128xf32, #tpu.memory_space<vmem>>[vector<16xi32>, vector<16xi32>, vector<16xi32>], vector<16xf32>,
            %mul3A_259 = arith.constant 128 : i32
            %mul3A_260 = arith.muli %scan3A_147, %mul3A_259 : i32
            %add3A_261 = arith.addi %mul3A_260, %mul3A_231 : i32
            %swap3A = arith.index_cast %add3A_261 : i32 to index
            %swap3A_262 = tpu.vector_load %arg10[%swap3A] {strides = array<i32>} : memref<256xi32, #tpu.memory_space<vmem>>, vector<16xi32>,
            tpu.vector_store %arg10[%swap3A], %convert_element_type3A_256 {strides = array<i32>} : memref<256xi32, #tpu.memory_space<vmem>>, vector<16xi32>,
            %scan3A_263 = arith.constant 0 : i32
            scf.yield %scan3A_263 : i32
          }
          %scan3A_226 = arith.constant 8 : i32
          %scan3A_227 = arith.constant 0 : i32
          scf.yield %scan3A_227 : i32
        }
        %scan3A_143 = arith.constant 2 : i32
        %dma_start3A = arith.constant 0 : i32
        %dma_start3A_144 = tpu.memref_slice %arg5[%dma_start3A, %add3A_48, %mul3A_50] : memref<65x1024x1024xf32, #tpu.memory_space<hbm>> -> memref<65x2x128xf32, #tpu.memory_space<hbm>>
        %dma_start3A_145 = arith.constant 0 : i32
        %dma_start3A_146 = tpu.memref_slice %arg5[%dma_start3A_145, %add3A_48, %mul3A_50] : memref<65x1024x1024xf32, #tpu.memory_space<hbm>> -> memref<65x2x128xf32, #tpu.memory_space<hbm>>
        tpu.enqueue_dma source(%arg8 : memref<65x2x128xf32, #tpu.memory_space<vmem>>) target(%dma_start3A_146 : memref<65x2x128xf32, #tpu.memory_space<hbm>>) target_semaphore(%arg12 : memref<!tpu.dma_semaphore, #tpu.memory_space<semaphore_mem>>)
      } else {
      }
      %jit3A_91 = arith.constant 2 : i32
      %eq3A_92 = arith.constant 0 : i32
      %eq3A_93 = arith.cmpi eq, %jit3A_91, %eq3A_92 : i32
      %jit3A_94 = arith.constant 1 : i32
      %select_n3A_95 = arith.select %eq3A_93, %jit3A_94, %jit3A_91 : i32
      %rem3A_96 = arith.remsi %scan3A_25, %select_n3A_95 : i32
      %ne3A_97 = arith.constant 0 : i32
      %ne3A_98 = arith.cmpi ne, %rem3A_96, %ne3A_97 : i32
      %lt3A_99 = arith.constant 0 : i32
      %lt3A_100 = arith.cmpi slt, %rem3A_96, %lt3A_99 : i32
      %lt3A_101 = arith.constant 0 : i32
      %lt3A_102 = arith.cmpi slt, %select_n3A_95, %lt3A_101 : i32
      %ne3A_103 = arith.xori %lt3A_100, %lt3A_102 : i1
      %and3A_104 = arith.andi %ne3A_103, %ne3A_98 : i1
      %add3A_105 = arith.addi %rem3A_96, %select_n3A_95 : i32
      %select_n3A_106 = arith.select %and3A_104, %add3A_105, %rem3A_96 : i32
      %eq3A_107 = arith.constant 1 : i32
      %eq3A_108 = arith.cmpi eq, %select_n3A_106, %eq3A_107 : i32
      %ge3A_109 = arith.constant 2 : i32
      %ge3A_110 = arith.cmpi sge, %scan3A_25, %ge3A_109 : i32
      %and3A_111 = arith.andi %eq3A_108, %ge3A_110 : i1
      %convert_element_type3A_112 = arith.extui %and3A_111 : i1 to i32
      %cond3A_113 = arith.constant 0 : i32
      %cond3A_114 = arith.cmpi ne, %convert_element_type3A_112, %cond3A_113 : i32
      scf.if %cond3A_114 {
        %dma_wait3A_137 = arith.constant 0 : i32
        %dma_wait3A_138 = tpu.memref_slice %arg5[%dma_wait3A_137, %add3A_48, %mul3A_50] : memref<65x1024x1024xf32, #tpu.memory_space<hbm>> -> memref<65x2x128xf32, #tpu.memory_space<hbm>>
        %dma_wait3A_139 = arith.constant 0 : i32
        %dma_wait3A_140 = tpu.memref_slice %arg5[%dma_wait3A_139, %add3A_48, %mul3A_50] : memref<65x1024x1024xf32, #tpu.memory_space<hbm>> -> memref<65x2x128xf32, #tpu.memory_space<hbm>>
        tpu.wait_dma2 semaphore(%arg13 : memref<!tpu.dma_semaphore, #tpu.memory_space<semaphore_mem>>) src(%arg9 : memref<65x2x128xf32, #tpu.memory_space<vmem>>) dst(%dma_wait3A_140 : memref<65x2x128xf32, #tpu.memory_space<hbm>>)
        %scan3A_141 = arith.constant 0 : i32
        %scan3A_142 = arith.constant 0 : i32
        %scan3A_143 = arith.constant 2 : i32
        %scan3A_144 = arith.addi %scan3A_142, %scan3A_143 : i32
        %scan3A_145 = arith.constant 1 : i32
        %scan3A_146 = scf.for %scan3A_148 = %scan3A_142 to %scan3A_144 step %scan3A_145 iter_args(%scan3A_149 = %scan3A_141) -> (i32)  : i32 {
          %add3A_150 = vector.broadcast %scan3A_148 : i32 to vector<16xi32>
          %add3A_151 = arith.addi %broadcast_in_dim3A_5, %add3A_150 : vector<16xi32>
          %scan3A_152 = arith.constant 0 : i32
          %scan3A_153 = arith.constant 0 : i32
          %scan3A_154 = arith.constant 8 : i32
          %scan3A_155 = arith.addi %scan3A_153, %scan3A_154 : i32
          %scan3A_156 = arith.constant 1 : i32
          %scan3A_157 = scf.for %scan3A_160 = %scan3A_153 to %scan3A_155 step %scan3A_156 iter_args(%scan3A_161 = %scan3A_152) -> (i32)  : i32 {
            %mul3A_162 = arith.constant 16 : i32
            %mul3A_163 = arith.muli %scan3A_160, %mul3A_162 : i32
            %mul3A_164 = arith.constant 128 : i32
            %mul3A_165 = arith.muli %scan3A_148, %mul3A_164 : i32
            %add3A_166 = arith.addi %mul3A_165, %mul3A_163 : i32
            %get3A = arith.index_cast %add3A_166 : i32 to index
            %get3A_167 = tpu.vector_load %arg11[%get3A] {strides = array<i32>} : memref<256xi32, #tpu.memory_space<vmem>>, vector<16xi32>,
            %add3A_168 = vector.broadcast %mul3A_163 : i32 to vector<16xi32>
            %add3A_169 = arith.addi %add3A_168, %iota3A : vector<16xi32>
            tpu.vector_store_idx %arg9[%get3A_167, %add3A_151, %add3A_169], %broadcast_in_dim3A_3 : memref<65x2x128xf32, #tpu.memory_space<vmem>>[vector<16xi32>, vector<16xi32>, vector<16xi32>], vector<16xf32>,
            %scan3A_170 = arith.constant 0 : i32
            scf.yield %scan3A_170 : i32
          }
          %scan3A_158 = arith.constant 8 : i32
          %scan3A_159 = arith.constant 0 : i32
          scf.yield %scan3A_159 : i32
        }
        %scan3A_147 = arith.constant 2 : i32
      } else {
      }
      %jit3A_115 = arith.constant 2 : i32
      %eq3A_116 = arith.constant 0 : i32
      %eq3A_117 = arith.cmpi eq, %jit3A_115, %eq3A_116 : i32
      %jit3A_118 = arith.constant 1 : i32
      %select_n3A_119 = arith.select %eq3A_117, %jit3A_118, %jit3A_115 : i32
      %rem3A_120 = arith.remsi %scan3A_25, %select_n3A_119 : i32
      %ne3A_121 = arith.constant 0 : i32
      %ne3A_122 = arith.cmpi ne, %rem3A_120, %ne3A_121 : i32
      %lt3A_123 = arith.constant 0 : i32
      %lt3A_124 = arith.cmpi slt, %rem3A_120, %lt3A_123 : i32
      %lt3A_125 = arith.constant 0 : i32
      %lt3A_126 = arith.cmpi slt, %select_n3A_119, %lt3A_125 : i32
      %ne3A_127 = arith.xori %lt3A_124, %lt3A_126 : i1
      %and3A_128 = arith.andi %ne3A_127, %ne3A_122 : i1
      %add3A_129 = arith.addi %rem3A_120, %select_n3A_119 : i32
      %select_n3A_130 = arith.select %and3A_128, %add3A_129, %rem3A_120 : i32
      %eq3A_131 = arith.constant 1 : i32
      %eq3A_132 = arith.cmpi eq, %select_n3A_130, %eq3A_131 : i32
      %convert_element_type3A_133 = arith.extui %eq3A_132 : i1 to i32
      %cond3A_134 = arith.constant 0 : i32
      %cond3A_135 = arith.cmpi ne, %convert_element_type3A_133, %cond3A_134 : i32
      scf.if %cond3A_135 {
        %scan3A_137 = arith.constant 0 : i32
        %scan3A_138 = arith.constant 0 : i32
        %scan3A_139 = arith.constant 2 : i32
        %scan3A_140 = arith.addi %scan3A_138, %scan3A_139 : i32
        %scan3A_141 = arith.constant 1 : i32
        %scan3A_142 = scf.for %scan3A_147 = %scan3A_138 to %scan3A_140 step %scan3A_141 iter_args(%scan3A_148 = %scan3A_137) -> (i32)  : i32 {
          %add3A_149 = arith.addi %add3A_48, %scan3A_147 : i32
          %jit3A_150 = arith.constant 16 : i32
          %div3A_151 = arith.divsi %add3A_149, %jit3A_150 : i32
          %sign3A_152 = arith.constant 0 : i32
          %sign3A_153 = arith.cmpi sgt, %add3A_149, %sign3A_152 : i32
          %sign3A_154 = arith.extui %sign3A_153 : i1 to i32
          %sign3A_155 = arith.constant 0 : i32
          %sign3A_156 = arith.cmpi slt, %add3A_149, %sign3A_155 : i32
          %sign3A_157 = arith.extui %sign3A_156 : i1 to i32
          %sign3A_158 = arith.subi %sign3A_154, %sign3A_157 : i32
          %sign3A_159 = arith.constant 0 : i32
          %sign3A_160 = arith.cmpi sgt, %jit3A_150, %sign3A_159 : i32
          %sign3A_161 = arith.extui %sign3A_160 : i1 to i32
          %sign3A_162 = arith.constant 0 : i32
          %sign3A_163 = arith.cmpi slt, %jit3A_150, %sign3A_162 : i32
          %sign3A_164 = arith.extui %sign3A_163 : i1 to i32
          %sign3A_165 = arith.subi %sign3A_161, %sign3A_164 : i32
          %ne3A_166 = arith.cmpi ne, %sign3A_158, %sign3A_165 : i32
          %rem3A_167 = arith.remsi %add3A_149, %jit3A_150 : i32
          %ne3A_168 = arith.constant 0 : i32
          %ne3A_169 = arith.cmpi ne, %rem3A_167, %ne3A_168 : i32
          %and3A_170 = arith.andi %ne3A_166, %ne3A_169 : i1
          %sub3A_171 = arith.constant 1 : i32
          %sub3A_172 = arith.subi %div3A_151, %sub3A_171 : i32
          %select_n3A_173 = arith.select %and3A_170, %sub3A_172, %div3A_151 : i32
          %mul3A_174 = arith.constant 16 : i32
          %mul3A_175 = arith.muli %select_n3A_173, %mul3A_174 : i32
          %jit3A_176 = arith.constant 16 : i32
          %eq3A_177 = arith.constant 0 : i32
          %eq3A_178 = arith.cmpi eq, %jit3A_176, %eq3A_177 : i32
          %jit3A_179 = arith.constant 1 : i32
          %select_n3A_180 = arith.select %eq3A_178, %jit3A_179, %jit3A_176 : i32
          %rem3A_181 = arith.remsi %add3A_149, %select_n3A_180 : i32
          %ne3A_182 = arith.constant 0 : i32
          %ne3A_183 = arith.cmpi ne, %rem3A_181, %ne3A_182 : i32
          %lt3A_184 = arith.constant 0 : i32
          %lt3A_185 = arith.cmpi slt, %rem3A_181, %lt3A_184 : i32
          %lt3A_186 = arith.constant 0 : i32
          %lt3A_187 = arith.cmpi slt, %select_n3A_180, %lt3A_186 : i32
          %ne3A_188 = arith.xori %lt3A_185, %lt3A_187 : i1
          %and3A_189 = arith.andi %ne3A_188, %ne3A_183 : i1
          %add3A_190 = arith.addi %rem3A_181, %select_n3A_180 : i32
          %select_n3A_191 = arith.select %and3A_189, %add3A_190, %rem3A_181 : i32
          %get3A = arith.index_cast %mul3A_175 : i32 to index
          %get3A_192 = tpu.vector_load %arg6[%get3A] {strides = array<i32>} : memref<1024xf32, #tpu.memory_space<vmem>>, vector<16xf32>,
          %broadcast_in_dim3A_193 = vector.broadcast %select_n3A_191 : i32 to vector<16xi32>
          %eq3A_194 = arith.cmpi eq, %iota3A, %broadcast_in_dim3A_193 : vector<16xi32>
          %broadcast_in_dim3A_195 = arith.constant 0.000000e+00 : f32
          %broadcast_in_dim3A_196 = vector.broadcast %broadcast_in_dim3A_195 : f32 to vector<16xf32>
          %select_n3A_197 = arith.select %eq3A_194, %get3A_192, %broadcast_in_dim3A_196 : vector<16xi1>, vector<16xf32>
          %reduce_sum3A = arith.constant true
          %reduce_sum3A_198 = vector.broadcast %reduce_sum3A : i1 to vector<16xi1>
          %reduce_sum3A_199 = tpu.scan <sum>, %select_n3A_197 masked %reduce_sum3A_198 : vector<16xf32>, vector<16xi1> -> vector<16xf32>
          %reduce_sum3A_200 = vector.extract %reduce_sum3A_199[15] : f32 from vector<16xf32>
          %get3A_201 = arith.index_cast %mul3A_175 : i32 to index
          %get3A_202 = tpu.vector_load %arg7[%get3A_201] {strides = array<i32>} : memref<1024xi32, #tpu.memory_space<vmem>>, vector<16xi32>,
          %broadcast_in_dim3A_203 = vector.broadcast %select_n3A_191 : i32 to vector<16xi32>
          %eq3A_204 = arith.cmpi eq, %iota3A, %broadcast_in_dim3A_203 : vector<16xi32>
          %broadcast_in_dim3A_205 = arith.constant 0 : i32
          %broadcast_in_dim3A_206 = vector.broadcast %broadcast_in_dim3A_205 : i32 to vector<16xi32>
          %select_n3A_207 = arith.select %eq3A_204, %get3A_202, %broadcast_in_dim3A_206 : vector<16xi1>, vector<16xi32>
          %reduce_sum3A_208 = arith.constant true
          %reduce_sum3A_209 = vector.broadcast %reduce_sum3A_208 : i1 to vector<16xi1>
          %reduce_sum3A_210 = tpu.scan <sum>, %select_n3A_207 masked %reduce_sum3A_209 : vector<16xi32>, vector<16xi1> -> vector<16xi32>
          %reduce_sum3A_211 = vector.extract %reduce_sum3A_210[15] : i32 from vector<16xi32>
          %broadcast_in_dim3A_212 = arith.constant 0.000000e+00 : f32
          %broadcast_in_dim3A_213 = vector.broadcast %broadcast_in_dim3A_212 : f32 to vector<16xf32>
          %add3A_214 = vector.broadcast %reduce_sum3A_200 : f32 to vector<16xf32>
          %add3A_215 = arith.addf %broadcast_in_dim3A_213, %add3A_214 : vector<16xf32>
          %add3A_216 = vector.broadcast %reduce_sum3A_211 : i32 to vector<16xi32>
          %add3A_217 = arith.addi %broadcast_in_dim3A_5, %add3A_216 : vector<16xi32>
          %add3A_218 = vector.broadcast %scan3A_147 : i32 to vector<16xi32>
          %add3A_219 = arith.addi %broadcast_in_dim3A_5, %add3A_218 : vector<16xi32>
          %scan3A_220 = arith.constant 0 : i32
          %scan3A_221 = arith.constant 0 : i32
          %scan3A_222 = arith.constant 8 : i32
          %scan3A_223 = arith.addi %scan3A_221, %scan3A_222 : i32
          %scan3A_224 = arith.constant 1 : i32
          %scan3A_225 = scf.for %scan3A_228 = %scan3A_221 to %scan3A_223 step %scan3A_224 iter_args(%scan3A_229 = %scan3A_220) -> (i32)  : i32 {
            %mul3A_230 = arith.constant 16 : i32
            %mul3A_231 = arith.muli %scan3A_228, %mul3A_230 : i32
            %add3A_232 = arith.addi %mul3A_50, %mul3A_231 : i32
            %get3A_233 = arith.index_cast %add3A_232 : i32 to index
            %get3A_234 = tpu.vector_load %arg6[%get3A_233] {strides = array<i32>} : memref<1024xf32, #tpu.memory_space<vmem>>, vector<16xf32>,
            %add3A_235 = arith.addi %mul3A_50, %mul3A_231 : i32
            %get3A_236 = arith.index_cast %add3A_235 : i32 to index
            %get3A_237 = tpu.vector_load %arg7[%get3A_236] {strides = array<i32>} : memref<1024xi32, #tpu.memory_space<vmem>>, vector<16xi32>,
            %eq3A_238 = arith.cmpi eq, %get3A_237, %add3A_217 : vector<16xi32>
            %sub3A_239 = arith.subf %add3A_215, %get3A_234 : vector<16xf32>
            %add3A_240 = arith.constant 3.200000e+01 : f32
            %add3A_241 = vector.broadcast %add3A_240 : f32 to vector<16xf32>
            %add3A_242 = arith.addf %sub3A_239, %add3A_241 : vector<16xf32>
            %max3A = arith.constant 0.000000e+00 : f32
            %max3A_243 = vector.broadcast %max3A : f32 to vector<16xf32>
            %max3A_244 = arith.maximumf %add3A_242, %max3A_243 : vector<16xf32>
            %min3A = arith.constant 6.400000e+01 : f32
            %min3A_245 = vector.broadcast %min3A : f32 to vector<16xf32>
            %min3A_246 = arith.minimumf %max3A_244, %min3A_245 : vector<16xf32>
            %broadcast_in_dim3A_247 = arith.constant 6.500000e+01 : f32
            %broadcast_in_dim3A_248 = vector.broadcast %broadcast_in_dim3A_247 : f32 to vector<16xf32>
            %select_n3A_249 = arith.select %eq3A_238, %min3A_246, %broadcast_in_dim3A_248 : vector<16xi1>, vector<16xf32>
            %sub3A_250 = arith.constant 1.000000e+00 : f32
            %sub3A_251 = vector.broadcast %sub3A_250 : f32 to vector<16xf32>
            %sub3A_252 = arith.subf %select_n3A_249, %sub3A_251 : vector<16xf32>
            %max3A_253 = arith.constant 0.000000e+00 : f32
            %max3A_254 = vector.broadcast %max3A_253 : f32 to vector<16xf32>
            %max3A_255 = arith.maximumf %sub3A_252, %max3A_254 : vector<16xf32>
            %convert_element_type3A_256 = arith.fptosi %max3A_255 : vector<16xf32> to vector<16xi32>
            %add3A_257 = vector.broadcast %mul3A_231 : i32 to vector<16xi32>
            %add3A_258 = arith.addi %add3A_257, %iota3A : vector<16xi32>
            tpu.vector_store_idx %arg9[%convert_element_type3A_256, %add3A_219, %add3A_258], %broadcast_in_dim3A_1 : memref<65x2x128xf32, #tpu.memory_space<vmem>>[vector<16xi32>, vector<16xi32>, vector<16xi32>], vector<16xf32>,
            %mul3A_259 = arith.constant 128 : i32
            %mul3A_260 = arith.muli %scan3A_147, %mul3A_259 : i32
            %add3A_261 = arith.addi %mul3A_260, %mul3A_231 : i32
            %swap3A = arith.index_cast %add3A_261 : i32 to index
            %swap3A_262 = tpu.vector_load %arg11[%swap3A] {strides = array<i32>} : memref<256xi32, #tpu.memory_space<vmem>>, vector<16xi32>,
            tpu.vector_store %arg11[%swap3A], %convert_element_type3A_256 {strides = array<i32>} : memref<256xi32, #tpu.memory_space<vmem>>, vector<16xi32>,
            %scan3A_263 = arith.constant 0 : i32
            scf.yield %scan3A_263 : i32
          }
          %scan3A_226 = arith.constant 8 : i32
          %scan3A_227 = arith.constant 0 : i32
          scf.yield %scan3A_227 : i32
        }
        %scan3A_143 = arith.constant 2 : i32
        %dma_start3A = arith.constant 0 : i32
        %dma_start3A_144 = tpu.memref_slice %arg5[%dma_start3A, %add3A_48, %mul3A_50] : memref<65x1024x1024xf32, #tpu.memory_space<hbm>> -> memref<65x2x128xf32, #tpu.memory_space<hbm>>
        %dma_start3A_145 = arith.constant 0 : i32
        %dma_start3A_146 = tpu.memref_slice %arg5[%dma_start3A_145, %add3A_48, %mul3A_50] : memref<65x1024x1024xf32, #tpu.memory_space<hbm>> -> memref<65x2x128xf32, #tpu.memory_space<hbm>>
        tpu.enqueue_dma source(%arg9 : memref<65x2x128xf32, #tpu.memory_space<vmem>>) target(%dma_start3A_146 : memref<65x2x128xf32, #tpu.memory_space<hbm>>) target_semaphore(%arg13 : memref<!tpu.dma_semaphore, #tpu.memory_space<semaphore_mem>>)
      } else {
      }
      %scan3A_136 = arith.constant 0 : i32
      scf.yield %scan3A_136 : i32
    }
    %scan3A_13 = arith.constant 128 : i32
    %dma_wait3A = arith.constant 0 : i32
    %dma_wait3A_14 = arith.constant 0 : i32
    %dma_wait3A_15 = tpu.memref_slice %arg5[%dma_wait3A, %mul3A_7, %dma_wait3A_14] : memref<65x1024x1024xf32, #tpu.memory_space<hbm>> -> memref<65x2x128xf32, #tpu.memory_space<hbm>>
    %dma_wait3A_16 = arith.constant 0 : i32
    %dma_wait3A_17 = arith.constant 0 : i32
    %dma_wait3A_18 = tpu.memref_slice %arg5[%dma_wait3A_16, %mul3A_7, %dma_wait3A_17] : memref<65x1024x1024xf32, #tpu.memory_space<hbm>> -> memref<65x2x128xf32, #tpu.memory_space<hbm>>
    tpu.wait_dma2 semaphore(%arg12 : memref<!tpu.dma_semaphore, #tpu.memory_space<semaphore_mem>>) src(%arg8 : memref<65x2x128xf32, #tpu.memory_space<vmem>>) dst(%dma_wait3A_18 : memref<65x2x128xf32, #tpu.memory_space<hbm>>)
    %dma_wait3A_19 = arith.constant 0 : i32
    %dma_wait3A_20 = arith.constant 0 : i32
    %dma_wait3A_21 = tpu.memref_slice %arg5[%dma_wait3A_19, %mul3A_7, %dma_wait3A_20] : memref<65x1024x1024xf32, #tpu.memory_space<hbm>> -> memref<65x2x128xf32, #tpu.memory_space<hbm>>
    %dma_wait3A_22 = arith.constant 0 : i32
    %dma_wait3A_23 = arith.constant 0 : i32
    %dma_wait3A_24 = tpu.memref_slice %arg5[%dma_wait3A_22, %mul3A_7, %dma_wait3A_23] : memref<65x1024x1024xf32, #tpu.memory_space<hbm>> -> memref<65x2x128xf32, #tpu.memory_space<hbm>>
    tpu.wait_dma2 semaphore(%arg13 : memref<!tpu.dma_semaphore, #tpu.memory_space<semaphore_mem>>) src(%arg9 : memref<65x2x128xf32, #tpu.memory_space<vmem>>) dst(%dma_wait3A_24 : memref<65x2x128xf32, #tpu.memory_space<hbm>>)
    return
  }
}

</mosaic_0001>

<sc_bundles>
// kernel: kernel.3.cloned.1.call-start
scs
__scs_entry_jumppad:
0x0: {  	(pc) =	sbr.rel $0x88, $3  }
0x1: {  	(tag) =	ssettag $0x0;
	lr =	simm.s32 $0x1  }
0x2: {  	[smem:$0x3F9F] =	sst lr;
	_ =	strace $0xD0000000  }
0x3: {  	_ = 	snop  }
0x4: {  	_ = 	snop  }
0x5: {  	_ = 	snop  }
0x6: {  	_ = 	snop  }
0x7: {  	_ = 	snop  }
__scs_overlays_trampoline_lowered:
0x8: {  	[smem:$0x3FAE] =	sst s0  }
0x9: {  	[smem:$0x3FAF] =	sst s1  }
0xa: {  	[smem:$0x3FB0] =	sst s2  }
0xb: {  	[smem:$0x3FB1] =	sst s3  }
0xc: {  	[smem:$0x3FB2] =	sst s4  }
0xd: {  	[smem:$0x3FB3] =	sst s5  }
0xe: {  	[smem:$0x3FB4] =	sst s6  }
0xf: {  	[smem:$0x3FB5] =	sst s7  }
0x10: {  	[smem:$0x3FB6] =	sst s8  }
0x11: {  	[smem:$0x3FB7] =	sst s9;
	s0 =	simm.s32 @!p0 $0x0  }
0x12: {  	s1 =	sld [smem:$0x3F9D];
	s0 =	simm.s32 @p0 $0x1  }
0x13: {  	[smem:$0x3FB8] =	sst s0;
	s0 =	simm.s32 @!p1 $0x0  }
0x14: {  	s2 =	sld [smem:$0x3F9C];
	s0 =	simm.s32 @p1 $0x1  }
0x15: {  	[smem:$0x3FB9] =	sst s0;
	s0 =	simm.s32 @!p2 $0x0  }
0x16: {  	s3 =	sld [smem:$0x3FDB];
	s0 =	simm.s32 @p2 $0x1  }
0x17: {  	s4 =	simm.s32 $0x1BF5;
	[smem:$0x3FBB] =	sst s0  }
0x18: {  	s0 =	sld [smem:$0x3F9E];
	_ =	swait.ge [sflag:s4], $0x0  }
0x19: {  	s7 =	sld [smem:$0x3F9F]  }
0x1a: {  	s8 =	sadd.s32 $0xFFFFE003, lr  }
0x1b: {  	s9 =	sadd.s32 $0xFFFFFEF7, lr;
	s5 =	simm.s32 $0xFFFFFFFF;
	p2 =	slt.u32 s8, $0xFFFFF086  }
0x1c: {  	p1 =	slt.u32 s9, $0xF7A;
	s5 =	simm.s32 @!p2 $0x0  }
0x1d: {  	s5 =	simm.s32 @p1 $0x1;
	p0 =	seq.s32 s7, s2  }
0x1e: {  	s7 =	smul.u32 @!p0 $0xF7A, s2;
	p2 =	seq.s32 @!p0 s5, $0x0  }
0x1f: {  	s9 =	smul.u32 $0xF7A, s1;
	s8 =	simm.s32 @!p0 $0x1BF5;
	p2 =	por !p2, p0  }
0x20: {  	[sflag:s8] =	ssyncset.s32 @!p0 $0xFFFFF086;
	s6 =	sadd.s32 @!p0 s3, s7;
	s7 =	simm.s32 @!p0 $0x108  }
0x21: {  	s3 =	sadd.s32 s3, s9;
	s6 =	sadd.s32 @!p0 $0x88, s6;
	s7 =	simm.s32 @p2 $0x1082  }
0x22: {  	[simem:s7], [sflag:s8] =	dma.local @!p0 [hbm:s6], $0xF7A  }
0x23: {  	s9 =	sor.u32 $0xD0000000, s2;
	s6 =	simm.s32 $0x108;
	_ =	swait.ge @!p0 [sflag:s8], $0x0  }
0x24: {  	s3 =	sadd.s32 $0x88, s3;
	s6 =	simm.s32 @!p1 $0x1082;
	[sflag:s4] =	ssyncset.s32 $0xFFFFF086  }
0x25: {  	[simem:s6], [sflag:s4] =	dma.local [hbm:s3], $0xF7A  }
0x26: {  	[smem:$0x3F9F] =	sst s1;
	(tag) =	ssettag s2;
	_ =	strace s9  }
0x27: {  	s1 =	sld [smem:$0x3FAF]  }
0x28: {  	s2 =	sld [smem:$0x3FB0]  }
0x29: {  	s4 =	sld [smem:$0x3FB2]  }
0x2a: {  	p0 =	seq.s32 s5, $0x0;
	s5 =	sld [smem:$0x3FB3]  }
0x2b: {  	s6 =	sld [smem:$0x3FB4]  }
0x2c: {  	s7 =	sld [smem:$0x3FB5]  }
0x2d: {  	s3 =	simm.s32 $0x108;
	s8 =	sld [smem:$0x3FB6]  }
0x2e: {  	s3 =	simm.s32 @!p0 $0x1082;
	s9 =	sld [smem:$0x3FB7]  }
0x2f: {  	lr =	sadd.s32 s0, s3;
	s0 =	sld [smem:$0x3FAE]  }
0x30: {  	s3 =	sld [smem:$0x3FB1]  }
0x31: {  	[smem:$0x3FBA] =	sst s10  }
0x32: {  	s10 =	sld [smem:$0x3FB8];
	_ =	sdelay $0x3  }
0x33: {  	p0 =	seq.s32 s10, $0x1;
	s10 =	sld [smem:$0x3FBA];
	_ =	sdelay $0x3  }
0x34: {  	[smem:$0x3FBA] =	sst s10  }
0x35: {  	s10 =	sld [smem:$0x3FB9];
	_ =	sdelay $0x3  }
0x36: {  	p1 =	seq.s32 s10, $0x1;
	s10 =	sld [smem:$0x3FBA];
	_ =	sdelay $0x3  }
0x37: {  	[smem:$0x3FBA] =	sst s10  }
0x38: {  	s10 =	sld [smem:$0x3FBB]  }
0x39: {  	_ = 	snop;
	(pc) =	sbr.ind lr, $3  }
0x3a: {  	_ = 	snop  }
0x3b: {  	_ = 	snop  }
0x3c: {  	p2 =	seq.s32 s10, $0x1;
	s10 =	sld [smem:$0x3FBA]  }
0x3d: {  	_ =	shalt  }
0x3e: {  	_ =	shalt  }
0x3f: {  	_ =	shalt  }
0x40: {  	_ =	shalt  }
0x41: {  	_ =	shalt  }
0x42: {  	_ =	shalt  }
0x43: {  	_ =	shalt  }
0x44: {  	_ =	shalt  }
0x45: {  	_ =	shalt  }
0x46: {  	_ =	shalt  }
0x47: {  	_ =	shalt  }
0x48: {  	_ =	shalt  }
0x49: {  	_ =	shalt  }
0x4a: {  	_ =	shalt  }
0x4b: {  	_ =	shalt  }
0x4c: {  	_ =	shalt  }
0x4d: {  	_ =	shalt  }
0x4e: {  	_ =	shalt  }
0x4f: {  	_ =	shalt  }
0x50: {  	_ =	shalt  }
0x51: {  	_ =	shalt  }
0x52: {  	_ =	shalt  }
0x53: {  	_ =	shalt  }
0x54: {  	_ =	shalt  }
0x55: {  	_ =	shalt  }
0x56: {  	_ =	shalt  }
0x57: {  	_ =	shalt  }
0x58: {  	_ =	shalt  }
0x59: {  	_ =	shalt  }
0x5a: {  	_ =	shalt  }
0x5b: {  	_ =	shalt  }
0x5c: {  	_ =	shalt  }
0x5d: {  	_ =	shalt  }
0x5e: {  	_ =	shalt  }
0x5f: {  	_ =	shalt  }
0x60: {  	_ =	shalt  }
0x61: {  	_ =	shalt  }
0x62: {  	_ =	shalt  }
0x63: {  	_ =	shalt  }
0x64: {  	_ =	shalt  }
0x65: {  	_ =	shalt  }
0x66: {  	_ =	shalt  }
0x67: {  	_ =	shalt  }
0x68: {  	_ =	shalt  }
0x69: {  	_ =	shalt  }
0x6a: {  	_ =	shalt  }
0x6b: {  	_ =	shalt  }
0x6c: {  	_ =	shalt  }
0x6d: {  	_ =	shalt  }
0x6e: {  	_ =	shalt  }
0x6f: {  	_ =	shalt  }
0x70: {  	_ =	shalt  }
0x71: {  	_ =	shalt  }
0x72: {  	_ =	shalt  }
0x73: {  	_ =	shalt  }
0x74: {  	_ =	shalt  }
0x75: {  	_ =	shalt  }
0x76: {  	_ =	shalt  }
0x77: {  	_ =	shalt  }
0x78: {  	_ =	shalt  }
0x79: {  	_ =	shalt  }
0x7a: {  	_ =	shalt  }
0x7b: {  	_ =	shalt  }
0x7c: {  	_ =	shalt  }
0x7d: {  	_ =	shalt  }
0x7e: {  	_ =	shalt  }
0x7f: {  	_ =	shalt  }
0x80: {  	_ =	shalt  }
0x81: {  	_ =	shalt  }
0x82: {  	_ =	shalt  }
0x83: {  	_ =	shalt  }
0x84: {  	_ =	shalt  }
0x85: {  	_ =	shalt  }
0x86: {  	_ =	shalt  }
0x87: {  	_ =	shalt  }
.Lfunc_end0:
.L_simem_size_0:
called_computation_lowered:
.L_overlay_start_0:
0x88: {  	s2 =	sld [smem:$0x3FD9]  }
0x89: {  	s3 =	sld [smem:$0x3FFE];
	_ =	sdelay $0x1  }
0x8a: {  	s1 =	srdreg.scid  }
0x8b: {  	s0 =	sand.u32 $0x1, s1  }
0x8c: {  	s17 =	sshll.u32 s0, $0xA;
	s2 =	sadd.s32 s3, s2  }
0x8d: {  	s2 =	sadd.s32 s2, s17  }
0x8e: {  	[smem:$0x3FC6] =	sst s2  }
0x8f: {  	_ = 	snop  }
0x90: {  	s2 =	sld [smem:$0x3FC9]  }
0x91: {  	s18 =	sld [smem:$0x3FC8]  }
0x92: {  	s4 =	sld [smem:$0x3FD0];
	(tm) =	ssettm $0x1  }
0x93: {  	s5 =	sld [smem:$0x3FFB];
	_ =	sdelay $0x3  }
0x94: {  	_ =	strace s5  }
0x95: {  	s5 =	sld [smem:$0x3FFC];
	_ =	sdelay $0x3  }
0x96: {  	_ =	strace s5  }
0x97: {  	s5 =	sld [smem:$0x3FFD];
	_ =	sdelay $0x3  }
0x98: {  	_ =	strace s5  }
0x99: {  	_ =	strace $0x8FFFFFFF  }
0x9a: {  	s19 =	sld [smem:$0x3FDB];
	_ =	sdelay $0x1  }
0x9b: {  	s6 =	simm.s32 $_scs_section_size  }
0x9c: {  	s7 =	simm.s32 $_size__tile_overlayer_lowered;
	s8 =	simm.s32 $_tile_overlayer_lowered  }
0x9d: {  	s22 =	simm.s32 $0x1BFF;
	s21 =	sshll.u32 s8, $0x1;
	s5 =	sadd.s32 s6, s19  }
0x9e: {  	s9 =	simm.s32 $0x0;
	s20 =	sshll.u32 s7, $0x1;
	s7 =	sadd.s32 s21, s5  }
0x9f: {  	[timem:s9], [sflag:s22] =	dma.local [hbm:s7], s20  }
0xa0: {  	_ =	swait.ge [sflag:s22], s20  }
0xa1: {  	s6 =	ssub.s32 $0x0, s20;
	[sflag:s22] =	ssyncset.done $0x0  }
0xa2: {  	[sflag:s22] =	ssyncadd.s32 s6;
	_ =	sdelay $0x1  }
0xa3: {  	s23 =	simm.s32 $0x1B8B  }
0xa4: {  	_ =	swait.ge [sflag:s23], $0x1  }
0xa5: {  	[sflag:s23] =	ssyncset.done $0x0  }
0xa6: {  	s25 =	simm.s32 $0x1B8E;
	s24 =	sld [smem:$0x3FFE];
	[sflag:s23] =	ssyncadd.s32 $0xFFFFFFFF  }
0xa7: {  	s26 =	simm.s32 $execute0_lowered;
	[smem:$0x3FD2] =	sst s25  }
0xa8: {  	s7 =	sshll.u32 s26, $0x1;
	_ =	strace $0x80000046;
	[dreg:$0x1] =	wrdreg $0xFFFFFFFF  }
0xa9: {  	s28 =	simm.s32 $_size_execute0_lowered;
	s5 =	sadd.s32 s5, s7;
	[dreg:$0x0] =	wrdreg $0x0  }
0xaa: {  	s7 =	sshll.u32 s28, $0x1;
	[dreg:$0x2] =	wrdreg s5  }
0xab: {  	[dreg:$0x3] =	wrdreg s7  }
0xac: {  	[dreg:$0x4] =	wrdreg $0xC0  }
0xad: {  	_ =	task [dreg:s9], $0x5FFFF  }
0xae: {  	[dreg:$0x1] =	wrdreg $0xFFFFFFFF  }
0xaf: {  	[dreg:$0x0] =	wrdreg $0x60  }
0xb0: {  	[dreg:$0x2] =	wrdreg s2  }
0xb1: {  	[dreg:$0x3] =	wrdreg s18  }
0xb2: {  	[dreg:$0x4] =	wrdreg s24  }
0xb3: {  	[dreg:$0x5] =	wrdreg s4  }
0xb4: {  	[dreg:$0x6] =	wrdreg $0x9  }
0xb5: {  	_ =	task.clear_ibuf [dreg:s9], $0x7FFFF;
	_ =	strace $0x90000046  }
0xb6: {  	s29 =	simm.s32 $0x9;
	_ =	strace $0x80000048  }
0xb7: {  	_ =	swait.ge [sflag:s29], $0x1  }
0xb8: {  	[sflag:s29] =	ssyncadd.s32 $0xFFFFFFFF  }
0xb9: {  	_ =	strace $0x90000048  }
0xba: {  	_ =	sfence  }
0xbb: {  	s30 =	sld [smem:$0x0];
	_ =	sdelay $0x2  }
0xbc: {  	s31 =	sshll.u32 s1, $0xD;
	s1 =	sshrl.u32 s1, $0x2  }
0xbd: {  	s3 =	sand.u32 $0x4000, s31;
	s1 =	sadd.s32 s1, s30  }
0xbe: {  	s0 =	sor.u32 s3, s0;
	s1 =	sshll.u32 s1, $0x11  }
0xbf: {  	s0 =	sor.u32 s1, s0  }
0xc0: {  	s0 =	sadd.s32 $0x8F2B, s0  }
0xc1: {  	[sflag:s0] =	ssyncadd.remote.s32 $0x1  }
0xc2: {  	_ =	sfence.sel $0xFFFF  }
0xc3: {  	[dreg:$0x0] =	wrdreg $0xFFFFFFFF;
	(pc) =	sbr.abs _section_cstart, $3  }
0xc4: {  	[dreg:$0x1] =	wrdreg $0xFFFFFFFF  }
0xc5: {  	_ =	task.clear_ibuf [dreg:s9], $0x2FFFF;
	_ =	strace $0x9FFFFFFF  }
0xc6: {  	(tm) =	ssettm $0x7FFFFFFF  }
0xc7: {  	_ =	shalt  }
tec
execute0_lowered:
.L_overlay_start_1:
0x0: {  	(tag) =	ssettag $0x1  }
0x1: {  	s0 =	rddreg [dreg:$0x2]  }
0x2: {  	s3 =	rddreg [dreg:$0x3];
	s4 =	simm.s32 $0x0;
	s1 =	srdreg.scid  }
0x3: {  	s5 =	stileid.u32;
	s9 =	simm.s32 $0x800;
	s10 =	simm.s32 $0x4900  }
0x4: {  	s11 =	simm.s32 $0x1;
	s12 =	simm.s32 $0x2;
	s13 =	simm.s32 $0x100  }
.Ltmp0:
0x5: {  	s14 =	simm.s32 $0x100000;
	s1 =	sand.u32 $0x1, s1;
	(pc) =	sbr.rel .LBB2_1-.Ltmp0, $4  }
0x6: {  	s15 =	simm.s32 $0x0;
	s30 =	simm.s32 $0x0;
	s2 =	ssub.s32 $0x2, s1  }
0x7: {  	[smem:$0x7FF] =	sst s4;
	s6 =	sadd.s32 $0x400, s0;
	s29 =	sshrl.u32 s2, $0x1  }
0x8: {  	v0 =	vlaneseq.u32;
	s31 =	sshll.u32 s5, $0x6;
	s1 =	sshll.u32 s1, $0x5;
	s0 =	ssub.s32 s2, s29  }
0x9: {  	v1 =	vimm.f32 $0.0e+00;
	v3 =	vimm.f32 $1.000000000e+00;
	v2 =	vor.u32 $0x80, v0;
	_ =	strace $0x80000047;
	s7 =	sor.u32 s1, s31;
	s8 =	smax.u32 s0, $0x1  }
.LBB2_27:
0xa: {  	s15 =	sadd.s32 $0x1, s15  }
0xb: {  	_ =	swait.ge [sflag:s11], $0x4100;
	p0 =	sne.s32 s15, s8  }
.Ltmp1:
0xc: {  	[sflag:s11] =	ssyncset.done $0x0;
	(pc) =	sbr.rel @!p0 .LBB2_28-.Ltmp1, $4  }
0xd: {  	[sflag:s11] =	ssyncadd.s32 $0xFFFFBF00  }
0xe: {  	_ =	swait.ge [sflag:s12], $0x4100  }
0xf: {  	[sflag:s12] =	ssyncset.done $0x0  }
0x10: {  	[sflag:s12] =	ssyncadd.s32 $0xFFFFBF00  }
.LBB2_1:
0x11: {  	s0 =	rddreg [dreg:$0x0]  }
0x12: {  	[tilespmem:s4], [sflag:$0x1] =	stream.linear.gather [hbm4b:s0+s4], $0x400, $0x38;
	[tilespmem:$0x8C00] =	vst v63  }
0x13: {  	s16 =	simm.s32 $0x400;
	s31 =	rddreg [dreg:$0x1]  }
0x14: {  	[tilespmem:s16], [sflag:$0x2] =	stream.linear.gather [hbm4b:s31+s4], $0x400, $0x38;
	[tilespmem:$0x8C00] =	vst v63  }
0x15: {  	_ = 	snop  }
0x16: {  	[tilespmem:s9], [sflag:$0x1] =	stream.linear.gather [hbm4b:s6+s4], $0x4100, $0x38;
	[tilespmem:$0x8C00] =	vst v63  }
0x17: {  	_ = 	snop  }
0x18: {  	[tilespmem:s10], [sflag:$0x2] =	stream.linear.gather [hbm4b:s6+s4], $0x4100, $0x38;
	[tilespmem:$0x8C00] =	vst v63  }
0x19: {  	_ =	swait.ge [sflag:s11], $0x400  }
0x1a: {  	[sflag:s11] =	ssyncset.done $0x0  }
0x1b: {  	[sflag:s11] =	ssyncadd.s32 $0xFFFFFC00  }
0x1c: {  	_ =	swait.ge [sflag:s12], $0x400  }
0x1d: {  	[sflag:s12] =	ssyncset.done $0x0  }
0x1e: {  	[sflag:s12] =	ssyncadd.s32 $0xFFFFFC00  }
0x1f: {  	_ =	swait.ge [sflag:s11], $0x4100  }
.Ltmp2:
0x20: {  	[sflag:s11] =	ssyncset.done $0x0;
	(pc) =	sbr.rel .LBB2_2-.Ltmp2, $4  }
0x21: {  	[sflag:s11] =	ssyncadd.s32 $0xFFFFBF00  }
0x22: {  	_ =	swait.ge [sflag:s12], $0x4100  }
0x23: {  	[sflag:s12] =	ssyncset.done $0x0  }
0x24: {  	s17 =	simm.s32 $0x0;
	s18 =	simm.s32 $0x0;
	[sflag:s12] =	ssyncadd.s32 $0xFFFFBF00  }
.LBB2_26:
0x25: {  	s18 =	sadd.s32 $0x1, s18  }
0x26: {  	p0 =	sne.s32 s18, $0x80  }
.Ltmp3:
0x27: {  	_ = 	snop;
	(pc) =	sbr.rel @!p0 .LBB2_27-.Ltmp3, $2  }
0x28: {  	_ =	sdelay $0x2  }
0x29: {  	s17 =	sadd.s32 $0x80, s17;
	s16 =	sadd.s32 $0x80, s16  }
.LBB2_2:
0x2a: {  	s25 =	sand.u32 $0x1, s18;
	p0 =	slt.u32 s18, $0x2  }
0x2b: {  	p1 =	sne.s32 @!p0 s25, $0x0  }
0x2c: {  	p1 =	por p0, p1  }
.Ltmp4:
0x2d: {  	s19 =	sshrl.u32 s18, $0x3;
	(pc) =	sbr.rel @p1 .LBB2_8-.Ltmp4, $4  }
0x2e: {  	s0 =	sshll.u32 s19, $0xC  }
0x2f: {  	s2 =	sshll.u32 s18, $0x7;
	s24 =	sshll.u32 s19, $0x1;
	s0 =	ssub.s32 $0x0, s0  }
0x30: {  	s1 =	sshll.u32 s19, $0xA;
	s22 =	sadd.s32 s7, s24;
	s0 =	sshra.s32 s0, $0x2  }
0x31: {  	s21 =	ssub.s32 s2, s1;
	s20 =	sadd.s32 s0, s17;
	s5 =	sadd.s32 s0, s16  }
0x32: {  	_ =	swait.ge [sflag:s11], $0x4100  }
0x33: {  	s0 =	simm.s32 $0x0;
	[sflag:s11] =	ssyncset.done $0x0  }
0x34: {  	s1 =	simm.s32 $0x8A00;
	s2 =	simm.s32 $0x0;
	[sflag:s11] =	ssyncadd.s32 $0xFFFFBF00  }
.LBB2_4:
0x35: {  	v4 =	vld [tilespmem:s1+$0x0];
	_ =	sdelay $0x4  }
0x36: {  	v4 =	vshll.u32 v4, $0x8  }
0x37: {  	v4 =	vadd.s32 s2, v4  }
0x38: {  	p1 =	sne.s32 s2, $0x70;
	v4 =	vadd.s32 v0, v4  }
.Ltmp5:
0x39: {  	_ = 	snop;
	(pc) =	sbr.rel @p1 .LBB2_4-.Ltmp5, $2  }
0x3a: {  	_ =	sdelay $0x2  }
0x3b: {  	s1 =	sadd.s32 $0x10, s1;
	s2 =	sadd.s32 $0x10, s2;
	[tilespmem:v4+s9+$0x0] =	vst.idx.msk $0xffff, v1  }
0x3c: {  	s1 =	simm.s32 $0x8A80  }
0x3d: {  	s2 =	simm.s32 $0x10;
	v4 =	vld [tilespmem:s1+$0x0]  }
.LBB2_6:
0x3e: {  	p1 =	seq.s32 s2, $0x70;
	_ =	sdelay $0x3  }
0x3f: {  	v4 =	vshll.u32 v4, $0x8  }
0x40: {  	v4 =	vadd.s32 s0, v4;
	s0 =	smov.u32 s2  }
0x41: {  	v4 =	vadd.s32 v2, v4;
	_ =	sdelay $0x1  }
.Ltmp6:
0x42: {  	(pc) =	sbr.rel @!p1 .LBB2_6-.Ltmp6, $3  }
0x43: {  	_ =	sdelay $0x1  }
0x44: {  	s1 =	sadd.s32 $0x10, s1;
	[tilespmem:v4+s9+$0x0] =	vst.idx.msk $0xffff, v1  }
0x45: {  	s2 =	sadd.s32 $0x10, s2;
	v4 =	vld [tilespmem:s1+$0x0]  }
0x46: {  	_ =	sdelay $0x3  }
0x47: {  	v4 =	vshll.u32 v4, $0x8  }
0x48: {  	v4 =	vadd.s32 s0, v4  }
0x49: {  	v4 =	vadd.s32 v2, v4;
	_ =	sdelay $0x4  }
0x4a: {  	[tilespmem:v4+s9+$0x0] =	vst.idx.msk $0xffff, v1  }
.LBB2_9:
0x4b: {  	s26 =	sand.u32 $0x3F0, s22;
	s28 =	sand.u32 $0xE, s24  }
0x4c: {  	p2 =	por $0x1, $0x1;
	s0 =	simm.s32 $0x0;
	s29 =	sor.u32 $0x400, s26  }
.LBB2_10:
0x4d: {  	v4 =	vld [tilespmem:s26+$0x0];
	_ =	sdelay $0x1  }
0x4e: {  	s1 =	sor.u32 s28, s0  }
0x4f: {  	v5 =	vmov s1  }
0x50: {  	vm0 =	veq.s32 v5, v0  }
0x51: {  	v4 =	vnsel vm0, $0x0, v4  }
0x52: {  	(xrf2) =	vadd.scan.msk.f32 $0xffff, v4;
	_ =	sdelay $0x9  }
0x53: {  	v5 =	vld [tilespmem:s20+$0x0];
	v4, _, _ =	vpop (xrf2)  }
0x54: {  	v6 =	vld [tilespmem:s29+$0x0];
	v4 =	vadd.f32 $0.0e+00, v4;
	_ =	sdelay $0x1  }
0x55: {  	v4 =	vbroadcast v4, $0xF;
	_ =	sdelay $0x1  }
0x56: {  	v5 =	vsub.f32 v4, v5  }
0x57: {  	v6 =	vnsel vm0, $0x0, v6  }
0x58: {  	(xrf0) =	vadd.scan.msk.s32 $0xffff, v6;
	v5 =	vadd.f32 $3.200000000e+01, v5;
	_ =	sdelay $0x1  }
0x59: {  	v5 =	vmax.f32 v5, $0.0e+00  }
0x5a: {  	v5 =	vmin.f32 v5, $6.400000000e+01  }
0x5b: {  	v6 =	vld [tilespmem:s5+$0x0];
	v5 =	vadd.f32 $-1.000000000e+00, v5;
	_ =	sdelay $0x1  }
0x5c: {  	v7, _, _ =	vpop (xrf0);
	v8 =	vmax.f32 v5, $0.0e+00  }
0x5d: {  	v5 =	vbroadcast v7, $0xF;
	v7 =	vtrunc.f32 v8  }
0x5e: {  	v7 =	vcvt.f32.s32 v7  }
0x5f: {  	vm15 =	veq.s32 v6, v5  }
0x60: {  	s2 =	sshll.u32 s0, $0x7;
	v7 =	vnsel vm15, $0x40, v7  }
0x61: {  	v6 =	vmov s2;
	v8 =	vshll.u32 v7, $0x8  }
0x62: {  	v8 =	vor.u32 v6, v8  }
0x63: {  	v8 =	vadd.s32 s30, v8  }
0x64: {  	v8 =	vadd.s32 v0, v8;
	_ =	sdelay $0x2  }
0x65: {  	s23 =	sshll.u32 s0, $0x9  }
0x66: {  	s0 =	sshra.s32 s23, $0x2  }
0x67: {  	s31 =	sadd.s32 $0x8A00, s0;
	[tilespmem:v8+s9+$0x0] =	vst.idx.msk $0xffff, v3  }
0x68: {  	s1 =	sadd.s32 $0x10, s20;
	[tilespmem:s31+$0x0] =	vst v7  }
0x69: {  	p1 =	por p2, p2;
	v7 =	vld [tilespmem:s1+$0x0]  }
0x6a: {  	s23 =	smov.u32 s5;
	s0 =	simm.s32 $0x10;
	s2 =	simm.s32 $0x20  }
.LBB2_11:
0x6b: {  	p2 =	sne.s32 s2, $0x70;
	_ =	sdelay $0x2  }
0x6c: {  	v7 =	vsub.f32 v4, v7;
	_ =	sdelay $0x1  }
0x6d: {  	v7 =	vadd.f32 $3.200000000e+01, v7;
	_ =	sdelay $0x1  }
0x6e: {  	v7 =	vmax.f32 v7, $0.0e+00  }
0x6f: {  	s23 =	sadd.s32 $0x10, s23;
	v7 =	vmin.f32 v7, $6.400000000e+01  }
0x70: {  	v8 =	vld [tilespmem:s23+$0x0];
	v7 =	vadd.f32 $-1.000000000e+00, v7;
	_ =	sdelay $0x1  }
0x71: {  	v7 =	vmax.f32 v7, $0.0e+00  }
0x72: {  	v7 =	vtrunc.f32 v7  }
0x73: {  	v7 =	vcvt.f32.s32 v7  }
0x74: {  	vm0 =	veq.s32 v8, v5  }
0x75: {  	v7 =	vnsel vm0, $0x40, v7  }
0x76: {  	v8 =	vshll.u32 v7, $0x8  }
0x77: {  	v8 =	vor.u32 v6, v8  }
0x78: {  	v8 =	vadd.s32 s0, v8;
	s0 =	smov.u32 s2  }
0x79: {  	v8 =	vadd.s32 v0, v8;
	_ =	sdelay $0x3  }
.Ltmp7:
0x7a: {  	(pc) =	sbr.rel @p2 .LBB2_11-.Ltmp7, $4  }
0x7b: {  	s31 =	sadd.s32 $0x10, s31;
	[tilespmem:v8+s9+$0x0] =	vst.idx.msk $0xffff, v3  }
0x7c: {  	s1 =	sadd.s32 $0x10, s1;
	[tilespmem:s31+$0x0] =	vst v7  }
0x7d: {  	v7 =	vld [tilespmem:s1+$0x0]  }
0x7e: {  	s2 =	sadd.s32 $0x10, s2  }
0x7f: {  	_ =	sdelay $0x2  }
0x80: {  	v4 =	vsub.f32 v4, v7;
	_ =	sdelay $0x1  }
0x81: {  	v4 =	vadd.f32 $3.200000000e+01, v4;
	_ =	sdelay $0x1  }
0x82: {  	v4 =	vmax.f32 v4, $0.0e+00  }
0x83: {  	s1 =	sadd.s32 $0x10, s23;
	v4 =	vmin.f32 v4, $6.400000000e+01  }
0x84: {  	v63 =	vld [tilespmem:s1+$0x0];
	v4 =	vadd.f32 $-1.000000000e+00, v4;
	_ =	sdelay $0x1  }
0x85: {  	v4 =	vmax.f32 v4, $0.0e+00  }
0x86: {  	v4 =	vtrunc.f32 v4  }
0x87: {  	v4 =	vcvt.f32.s32 v4  }
0x88: {  	vm0 =	veq.s32 v63, v5  }
0x89: {  	v4 =	vnsel vm0, $0x40, v4  }
0x8a: {  	v5 =	vshll.u32 v4, $0x8  }
0x8b: {  	v5 =	vor.u32 v6, v5  }
0x8c: {  	v5 =	vadd.s32 s0, v5  }
0x8d: {  	v5 =	vadd.s32 v0, v5;
	_ =	sdelay $0x1  }
.Ltmp8:
0x8e: {  	_ = 	snop;
	(pc) =	sbr.rel @p1 .LBB2_10-.Ltmp8, $3  }
0x8f: {  	_ =	sdelay $0x1  }
0x90: {  	s31 =	sadd.s32 $0x10, s31;
	[tilespmem:v5+s9+$0x0] =	vst.idx.msk $0xffff, v3  }
0x91: {  	p2 =	por $0x0, $0x0;
	s0 =	simm.s32 $0x1;
	[tilespmem:s31+$0x0] =	vst v4  }
0x92: {  	s0 =	sshll.u32 s22, $0xA  }
0x93: {  	s1 =	sshll.u32 s21, $0x3;
	s2 =	sshll.u32 s19, $0x8;
	s0 =	sand.u32 $0xFE000, s0  }
0x94: {  	s31 =	sand.u32 $0x300, s2;
	s0 =	sadd.s32 s1, s0  }
0x95: {  	s0 =	sor.u32 s31, s0  }
0x96: {  	s0 =	sshrl.u32 s0, $0x3  }
0x97: {  	s0 =	sadd.s32 s3, s0  }
0x98: {  	[hbm4b:s0+s13] =	stream.strided.scatter [tilespmem:s9], [sflag:$0x1], $0x4100, s14, s13, $0x38;
	[tilespmem:$0x8C00] =	vst v63  }
.LBB2_14:
0x99: {  	p1 =	seq.s32 s25, $0x1  }
0x9a: {  	p0 =	por p0, !p1  }
.Ltmp9:
0x9b: {  	_ = 	snop;
	(pc) =	sbr.rel @p0 .LBB2_20-.Ltmp9, $1  }
0x9c: {  	_ =	sdelay $0x3  }
0x9d: {  	_ =	swait.ge [sflag:s12], $0x4100  }
0x9e: {  	s0 =	simm.s32 $0x0;
	[sflag:s12] =	ssyncset.done $0x0  }
0x9f: {  	s1 =	simm.s32 $0x8B00;
	s2 =	simm.s32 $0x0;
	[sflag:s12] =	ssyncadd.s32 $0xFFFFBF00  }
.LBB2_16:
0xa0: {  	v4 =	vld [tilespmem:s1+$0x0];
	_ =	sdelay $0x4  }
0xa1: {  	v4 =	vshll.u32 v4, $0x8  }
0xa2: {  	v4 =	vadd.s32 s2, v4  }
0xa3: {  	p0 =	sne.s32 s2, $0x70;
	v4 =	vadd.s32 v0, v4  }
.Ltmp10:
0xa4: {  	_ = 	snop;
	(pc) =	sbr.rel @p0 .LBB2_16-.Ltmp10, $2  }
0xa5: {  	_ =	sdelay $0x2  }
0xa6: {  	s1 =	sadd.s32 $0x10, s1;
	s2 =	sadd.s32 $0x10, s2;
	[tilespmem:v4+s10+$0x0] =	vst.idx.msk $0xffff, v1  }
0xa7: {  	s1 =	simm.s32 $0x8B80  }
0xa8: {  	s2 =	simm.s32 $0x10;
	v4 =	vld [tilespmem:s1+$0x0]  }
.LBB2_18:
0xa9: {  	p0 =	sne.s32 s2, $0x70;
	_ =	sdelay $0x3  }
0xaa: {  	v4 =	vshll.u32 v4, $0x8  }
0xab: {  	v4 =	vadd.s32 s0, v4;
	s0 =	smov.u32 s2  }
0xac: {  	v4 =	vadd.s32 v2, v4;
	_ =	sdelay $0x1  }
.Ltmp11:
0xad: {  	(pc) =	sbr.rel @p0 .LBB2_18-.Ltmp11, $3  }
0xae: {  	_ =	sdelay $0x1  }
0xaf: {  	s1 =	sadd.s32 $0x10, s1;
	[tilespmem:v4+s10+$0x0] =	vst.idx.msk $0xffff, v1  }
0xb0: {  	s2 =	sadd.s32 $0x10, s2;
	v4 =	vld [tilespmem:s1+$0x0]  }
0xb1: {  	_ =	sdelay $0x3  }
0xb2: {  	v4 =	vshll.u32 v4, $0x8  }
0xb3: {  	v4 =	vadd.s32 s0, v4  }
0xb4: {  	v4 =	vadd.s32 v2, v4;
	_ =	sdelay $0x4  }
0xb5: {  	[tilespmem:v4+s10+$0x0] =	vst.idx.msk $0xffff, v1  }
.LBB2_20:
.Ltmp12:
0xb6: {  	(pc) =	sbr.rel @!p1 .LBB2_26-.Ltmp12, $1  }
0xb7: {  	_ =	sdelay $0x3  }
0xb8: {  	s25 =	sand.u32 $0x3F0, s22;
	s24 =	sand.u32 $0xE, s24;
	s28 =	simm.s32 $0x0  }
0xb9: {  	p1 =	por $0x1, $0x1;
	s0 =	simm.s32 $0x0;
	s26 =	sor.u32 $0x400, s25  }
.LBB2_22:
0xba: {  	v4 =	vld [tilespmem:s25+$0x0];
	_ =	sdelay $0x1  }
0xbb: {  	s1 =	sor.u32 s24, s0  }
0xbc: {  	v5 =	vmov s1  }
0xbd: {  	vm0 =	veq.s32 v5, v0  }
0xbe: {  	v4 =	vnsel vm0, $0x0, v4  }
0xbf: {  	(xrf2) =	vadd.scan.msk.f32 $0xffff, v4;
	_ =	sdelay $0x9  }
0xc0: {  	v5 =	vld [tilespmem:s20+$0x0];
	v4, _, _ =	vpop (xrf2)  }
0xc1: {  	v6 =	vld [tilespmem:s26+$0x0];
	v4 =	vadd.f32 $0.0e+00, v4;
	_ =	sdelay $0x1  }
0xc2: {  	v4 =	vbroadcast v4, $0xF;
	_ =	sdelay $0x1  }
0xc3: {  	v5 =	vsub.f32 v4, v5  }
0xc4: {  	v6 =	vnsel vm0, $0x0, v6  }
0xc5: {  	(xrf0) =	vadd.scan.msk.s32 $0xffff, v6;
	v5 =	vadd.f32 $3.200000000e+01, v5;
	_ =	sdelay $0x1  }
0xc6: {  	v5 =	vmax.f32 v5, $0.0e+00  }
0xc7: {  	v5 =	vmin.f32 v5, $6.400000000e+01  }
0xc8: {  	v6 =	vld [tilespmem:s5+$0x0];
	v5 =	vadd.f32 $-1.000000000e+00, v5;
	_ =	sdelay $0x1  }
0xc9: {  	v7, _, _ =	vpop (xrf0);
	v8 =	vmax.f32 v5, $0.0e+00  }
0xca: {  	v5 =	vbroadcast v7, $0xF;
	v7 =	vtrunc.f32 v8  }
0xcb: {  	v7 =	vcvt.f32.s32 v7  }
0xcc: {  	vm15 =	veq.s32 v6, v5  }
0xcd: {  	s23 =	sshll.u32 s0, $0x7;
	v7 =	vnsel vm15, $0x40, v7  }
0xce: {  	v6 =	vmov s23;
	v8 =	vshll.u32 v7, $0x8  }
0xcf: {  	v8 =	vor.u32 v6, v8  }
0xd0: {  	v8 =	vadd.s32 s28, v8  }
0xd1: {  	v8 =	vadd.s32 v0, v8;
	_ =	sdelay $0x2  }
0xd2: {  	s31 =	sshll.u32 s0, $0x9  }
0xd3: {  	s0 =	sshra.s32 s31, $0x2  }
0xd4: {  	s29 =	sadd.s32 $0x8B00, s0;
	[tilespmem:v8+s10+$0x0] =	vst.idx.msk $0xffff, v3  }
0xd5: {  	s1 =	sadd.s32 $0x10, s20;
	[tilespmem:s29+$0x0] =	vst v7  }
0xd6: {  	p0 =	por p1, p1;
	v7 =	vld [tilespmem:s1+$0x0]  }
0xd7: {  	s2 =	simm.s32 $0x20;
	s0 =	simm.s32 $0x10;
	s23 =	smov.u32 s5  }
.LBB2_23:
0xd8: {  	p1 =	sne.s32 s2, $0x70;
	_ =	sdelay $0x2  }
0xd9: {  	v7 =	vsub.f32 v4, v7;
	_ =	sdelay $0x1  }
0xda: {  	v7 =	vadd.f32 $3.200000000e+01, v7;
	_ =	sdelay $0x1  }
0xdb: {  	v7 =	vmax.f32 v7, $0.0e+00  }
0xdc: {  	s23 =	sadd.s32 $0x10, s23;
	v7 =	vmin.f32 v7, $6.400000000e+01  }
0xdd: {  	v8 =	vld [tilespmem:s23+$0x0];
	v7 =	vadd.f32 $-1.000000000e+00, v7;
	_ =	sdelay $0x1  }
0xde: {  	v7 =	vmax.f32 v7, $0.0e+00  }
0xdf: {  	v7 =	vtrunc.f32 v7  }
0xe0: {  	v7 =	vcvt.f32.s32 v7  }
0xe1: {  	vm0 =	veq.s32 v8, v5  }
0xe2: {  	v7 =	vnsel vm0, $0x40, v7  }
0xe3: {  	v8 =	vshll.u32 v7, $0x8  }
0xe4: {  	v8 =	vor.u32 v6, v8  }
0xe5: {  	v8 =	vadd.s32 s0, v8;
	s0 =	smov.u32 s2  }
0xe6: {  	v8 =	vadd.s32 v0, v8;
	_ =	sdelay $0x3  }
.Ltmp13:
0xe7: {  	(pc) =	sbr.rel @p1 .LBB2_23-.Ltmp13, $4  }
0xe8: {  	s29 =	sadd.s32 $0x10, s29;
	[tilespmem:v8+s10+$0x0] =	vst.idx.msk $0xffff, v3  }
0xe9: {  	s1 =	sadd.s32 $0x10, s1;
	[tilespmem:s29+$0x0] =	vst v7  }
0xea: {  	v7 =	vld [tilespmem:s1+$0x0]  }
0xeb: {  	s2 =	sadd.s32 $0x10, s2  }
0xec: {  	_ =	sdelay $0x2  }
0xed: {  	v4 =	vsub.f32 v4, v7;
	_ =	sdelay $0x1  }
0xee: {  	v4 =	vadd.f32 $3.200000000e+01, v4;
	_ =	sdelay $0x1  }
0xef: {  	v4 =	vmax.f32 v4, $0.0e+00  }
0xf0: {  	s1 =	sadd.s32 $0x10, s23;
	v4 =	vmin.f32 v4, $6.400000000e+01  }
0xf1: {  	v63 =	vld [tilespmem:s1+$0x0];
	v4 =	vadd.f32 $-1.000000000e+00, v4;
	_ =	sdelay $0x1  }
0xf2: {  	v4 =	vmax.f32 v4, $0.0e+00  }
0xf3: {  	v4 =	vtrunc.f32 v4  }
0xf4: {  	v4 =	vcvt.f32.s32 v4  }
0xf5: {  	vm0 =	veq.s32 v63, v5  }
0xf6: {  	v4 =	vnsel vm0, $0x40, v4  }
0xf7: {  	v5 =	vshll.u32 v4, $0x8  }
0xf8: {  	v5 =	vor.u32 v6, v5  }
0xf9: {  	v5 =	vadd.s32 s0, v5  }
0xfa: {  	v5 =	vadd.s32 v0, v5;
	_ =	sdelay $0x1  }
.Ltmp14:
0xfb: {  	_ = 	snop;
	(pc) =	sbr.rel @p0 .LBB2_22-.Ltmp14, $3  }
0xfc: {  	_ =	sdelay $0x1  }
0xfd: {  	s31 =	sadd.s32 $0x10, s29;
	[tilespmem:v5+s10+$0x0] =	vst.idx.msk $0xffff, v3  }
0xfe: {  	p1 =	por $0x0, $0x0;
	s0 =	simm.s32 $0x1;
	[tilespmem:s31+$0x0] =	vst v4  }
0xff: {  	s0 =	sshll.u32 s22, $0xA  }
0x100: {  	s1 =	sshll.u32 s21, $0x3;
	s2 =	sshll.u32 s19, $0x8;
	s0 =	sand.u32 $0xFE000, s0  }
.Ltmp15:
0x101: {  	s31 =	sand.u32 $0x300, s2;
	s0 =	sadd.s32 s1, s0;
	(pc) =	sbr.rel .LBB2_26-.Ltmp15, $4  }
0x102: {  	s0 =	sor.u32 s31, s0  }
0x103: {  	s0 =	sshrl.u32 s0, $0x3  }
0x104: {  	s0 =	sadd.s32 s3, s0  }
0x105: {  	[hbm4b:s0+s13] =	stream.strided.scatter [tilespmem:s10], [sflag:$0x2], $0x4100, s14, s13, $0x38;
	[tilespmem:$0x8C00] =	vst v63  }
.LBB2_8:
0x106: {  	p1 =	sne.s32 s25, $0x0  }
.Ltmp16:
0x107: {  	_ = 	snop;
	(pc) =	sbr.rel @p1 .LBB2_14-.Ltmp16, $4  }
.Ltmp17:
0x108: {  	_ = 	snop;
	(pc) =	sbr.rel @!p1 .LBB2_9-.Ltmp17, $4  }
0x109: {  	_ = 	snop  }
0x10a: {  	_ = 	snop  }
0x10b: {  	_ = 	snop  }
0x10c: {  	_ = 	snop  }
.LBB2_28:
0x10d: {  	_ =	sfence.sel $0x180000  }
0x10e: {  	[bflag:$0x0] =	sbarrier.arrive $0xFFFF  }
0x10f: {  	_ =	strace $0x90000047  }
0x110: {  	s0 =	stileid.u32;
	[bflag:$0x2] =	sbarrier.arrive $0xFFFF  }
0x111: {  	p0 =	sne.s32 s0, $0x0;
	s0 =	rddreg [dreg:$0x4]  }
0x112: {  	s0 =	sadd.s32 @!p0 $0x100000, s0  }
0x113: {  	[sflag:s0] =	ssyncadd.tile.s32 @!p0 $0x1;
	_ =	shalt  }
.Lfunc_end2:
_tile_overlayer_lowered:
.L_overlay_start_2:
0x114: {  	(tag) =	ssettag $0x2  }
0x115: {  	s0 =	rddreg [dreg:$0x0];
	s2 =	stileid.u32  }
0x116: {  	s1 =	rddreg [dreg:$0x1];
	p0 =	sne.s32 s2, $0x0  }
0x117: {  	s3 =	rddreg [dreg:$0x2];
	[bflag:$0x3] =	sbarrier.arrive $0xFFFF;
	s2 =	simm.s32 @!p0 $0x1C03  }
0x118: {  	[timem:s3], [sflag:s2] =	dma.local @!p0 [hbm:s0], s1  }
0x119: {  	s0 =	simm.s32 @!p0 $0x3  }
0x11a: {  	_ =	swait.ge @!p0 [sflag:s0], s1  }
0x11b: {  	s1 =	ssub.s32 @!p0 $0x0, s1;
	[sflag:s0] =	ssyncset.done @!p0 $0x0  }
0x11c: {  	[sflag:s0] =	ssyncadd.s32 @!p0 s1  }
0x11d: {  	[bflag:$0x3] =	sbarrier.arrive $0xFFFF  }
0x11e: {  	_ =	shalt  }

</sc_bundles>
